<compile_context>
chip_gen: v7x
topology: tpu7x:2x2x1
jax: 0.10.2.dev20260603
libtpu: 0.0.44.dev20260713+nightly
codegen_flags: <defaults>
</compile_context>

<pallas_src>
import jax
import jax.numpy as jnp
from jax import lax
from jax.experimental import pallas as pl
from jax.experimental.pallas import tpu as pltpu
from jax.experimental.pallas import tpu_sc as plsc

NUM_EMB = 1000000
NUM_TOK = 16384 * 50
DIM = 64
NC, NS = 2, 16
NW = NC * NS
SUB = 128
NSUB = 4
CHUNK = SUB * NSUB
N_CHUNKS = NUM_TOK // (NW * CHUNK)
N_SUBS = N_CHUNKS * NSUB

NB = 16384
N_TBLK = (NUM_EMB + NB - 1) // NB

B = 16384
S = 50
TB = 4096


def _detile_body(tT_ref, out_ref, scratch):
    scratch[...] = jnp.transpose(tT_ref[...])
    out_ref[:, :DIM] = scratch[::2, :]
    out_ref[:, DIM:] = scratch[1::2, :]


def _detile(embeddings):
    return pl.pallas_call(
        _detile_body,
        grid=(N_TBLK,),
        in_specs=[pl.BlockSpec((DIM, NB), lambda g: (0, g))],
        out_specs=pl.BlockSpec((NB // 2, 2 * DIM), lambda g: (g, 0)),
        out_shape=jax.ShapeDtypeStruct((NUM_EMB // 2, 2 * DIM), jnp.float32),
        scratch_shapes=[pltpu.VMEM((NB, DIM), jnp.float32)],
    )(embeddings.T)


def _unpack_body(in_ref, out_ref):
    x = in_ref[...]
    y = jnp.transpose(x.reshape(TB // 64, 64, 128), (0, 2, 1))
    for t in range(TB // 64):
        out_ref[0, :, t, :, :DIM] = y[t, :DIM, :].reshape(8, 8, DIM)
        out_ref[0, :, t, :, DIM:] = y[t, DIM:, :].reshape(8, 8, DIM)


def _unpack(rows128):
    n_tau = B // (2 * TB)
    return pl.pallas_call(
        _unpack_body,
        grid=(S, n_tau),
        in_specs=[pl.BlockSpec((TB, 128), lambda s, tau: (s * n_tau + tau, 0))],
        out_specs=pl.BlockSpec((1, 8, TB // 64, 8, 128),
                               lambda s, tau: (s, 0, tau, 0, 0)),
        out_shape=jax.ShapeDtypeStruct((S, 8, B // 128, 8, 128), jnp.float32),
    )(rows128)


def _emb_body(idx_hbm, table_hbm, out_hbm,
              idx_v, rows0, rows1, sg0, sg1, so0, so1):
    wid = lax.axis_index("s") * NC + lax.axis_index("c")
    out_base = wid * N_CHUNKS * CHUNK

    pltpu.sync_copy(idx_hbm.at[wid], idx_v)

    def issue_gather(i, rows, sem):
        return [
            pltpu.async_copy(
                table_hbm.at[idx_v.at[i * NSUB + j]],
                rows.at[pl.ds(j * SUB, SUB)],
                sem,
            )
            for j in range(NSUB)
        ]

    def wait_all(cps):
        for cp in cps:
            cp.wait()

    def issue_store(i, rows, sem):
        return pltpu.async_copy(
            rows, out_hbm.at[pl.ds(out_base + i * CHUNK, CHUNK)], sem)

    wait_all(issue_gather(0, rows0, sg0))

    def step(t, carry):
        i0 = t * 2
        g1 = issue_gather(i0 + 1, rows1, sg1)
        issue_store(i0, rows0, so0).wait()

        @pl.when(i0 + 2 < N_CHUNKS)
        def _():
            g2 = issue_gather(i0 + 2, rows0, sg0)
            wait_all(g1)
            issue_store(i0 + 1, rows1, so1).wait()
            wait_all(g2)

        @pl.when(i0 + 2 >= N_CHUNKS)
        def _():
            wait_all(g1)
            issue_store(i0 + 1, rows1, so1).wait()

        return carry

    lax.fori_loop(0, N_CHUNKS // 2, step, 0)


@jax.jit
def _embedding_lookup(idx, table):
    grouped = idx.reshape(NW, N_SUBS, SUB)
    t64 = _detile(table).reshape(NUM_EMB, DIM)
    return pl.kernel(
        _emb_body,
        out_type=jax.ShapeDtypeStruct((NUM_TOK, DIM), jnp.float32),
        mesh=plsc.VectorSubcoreMesh(core_axis_name="c", subcore_axis_name="s"),
        compiler_params=pltpu.CompilerParams(use_tc_tiling_on_sc=False),
        scratch_types=[
            pltpu.VMEM((N_SUBS, SUB), jnp.int32),
            pltpu.VMEM((CHUNK, DIM), jnp.float32),
            pltpu.VMEM((CHUNK, DIM), jnp.float32),
            pltpu.SemaphoreType.DMA,
            pltpu.SemaphoreType.DMA,
            pltpu.SemaphoreType.DMA,
            pltpu.SemaphoreType.DMA,
        ],
    )(grouped, t64)


def kernel(token_ids, embeddings):
    perm = (token_ids.T.astype(jnp.int32)
            .reshape(S, B // 128, 2, 64)
            .transpose(0, 1, 3, 2)
            .reshape(-1))
    rows = _embedding_lookup(perm, embeddings)
    out5 = _unpack(rows.reshape(NUM_TOK // 2, 128))
    o = out5.transpose(0, 1, 3, 2, 4).reshape(S, DIM, B)
    return o.transpose(2, 0, 1)

# --- scband reference (transcript-rebuilt; emitter-appended) ---
"""Pipeline reference for scband-embedding-7825430413919 (READ-ONLY COPY).

The authoritative reference and input builder live on the scoring server;
editing this copy changes nothing except your own understanding.
"""

import jax, jax.numpy as jnp
import numpy as np

NUM_EMBEDDINGS = 1000000
EMBEDDING_DIM = 64

def setup_inputs(seed: int = 0) -> dict:
    key = jax.random.key(seed)
    k_ids, k_emb = jax.random.split(key)
    token_ids = jax.random.randint(k_ids, (16384, 50), 0, NUM_EMBEDDINGS, dtype=jnp.int64 if jax.config.jax_enable_x64 else jnp.int32)
    # truncated normal init, mean=0 std=1, truncated at [-3, 3]
    embeddings = jax.random.truncated_normal(k_emb, -3.0, 3.0, (NUM_EMBEDDINGS, EMBEDDING_DIM), dtype=jnp.float32)
    return {"token_ids": token_ids, "embeddings": embeddings}

def reference(token_ids, embeddings):
    # Faithful translation: gather rows of embedding table
    return jnp.take(embeddings, token_ids, axis=0)

if __name__ == "__main__":
    import jax
    _d = setup_inputs()
    print(jax.jit(kernel)(*tuple(_d.values())))

</pallas_src>

<mosaic_0001>
#map = affine_map<(d0, d1) -> (0, 0, 0)>
#map1 = affine_map<(d0, d1) -> (0, 0)>
module attributes {stable_mosaic.version = 14 : i64} {
  func.func @_emb_body(%arg0: i32, %arg1: i32, %arg2: memref<32x200x128xi32, #tpu.memory_space<hbm>>, %arg3: memref<1000000x64xf32, #tpu.memory_space<hbm>>, %arg4: memref<819200x64xf32, #tpu.memory_space<hbm>>, %arg5: memref<200x128xi32, #tpu.memory_space<vmem>>, %arg6: memref<512x64xf32, #tpu.memory_space<vmem>>, %arg7: memref<512x64xf32, #tpu.memory_space<vmem>>, %arg8: memref<!tpu.dma_semaphore, #tpu.memory_space<semaphore_mem>>, %arg9: memref<!tpu.dma_semaphore, #tpu.memory_space<semaphore_mem>>, %arg10: memref<!tpu.dma_semaphore, #tpu.memory_space<semaphore_mem>>, %arg11: memref<!tpu.dma_semaphore, #tpu.memory_space<semaphore_mem>>) attributes {dimension_semantics = [#tpu.dimension_semantics<core_parallel>, #tpu.dimension_semantics<subcore_parallel>], iteration_bounds = array<i64: 2, 16>, scalar_prefetch = 0 : i64, scratch_operands = 7 : i64, tpu.core_type = #tpu.core_type<sc_vector_subcore>, window_params = [{transform_indices = #map}, {transform_indices = #map1}, {transform_indices = #map1}]} {
    %mul3A = arith.constant 2 : i32
    %mul3A_0 = arith.muli %arg1, %mul3A : i32
    %add3A = arith.addi %mul3A_0, %arg0 : i32
    %mul3A_1 = arith.constant 50 : i32
    %mul3A_2 = arith.muli %add3A, %mul3A_1 : i32
    %mul3A_3 = arith.constant 512 : i32
    %mul3A_4 = arith.muli %mul3A_2, %mul3A_3 : i32
    "tpu.region"() ({
      %run_scoped3A = tpu.sem_alloc : memref<!tpu.dma_semaphore, #tpu.memory_space<semaphore_mem>>
      %dma_start3A_88 = arith.constant 0 : i32
      %dma_start3A_89 = arith.constant 0 : i32
      %dma_start3A_90 = tpu.memref_slice %arg2[%add3A, %dma_start3A_88, %dma_start3A_89] : memref<32x200x128xi32, #tpu.memory_space<hbm>> -> memref<1x200x128xi32, #tpu.memory_space<hbm>>
      %dma_start3A_91 = tpu.memref_squeeze %dma_start3A_90 : memref<1x200x128xi32, #tpu.memory_space<hbm>> -> memref<200x128xi32, #tpu.memory_space<hbm>>
      %dma_start3A_92 = arith.constant 0 : i32
      %dma_start3A_93 = arith.constant 0 : i32
      %dma_start3A_94 = tpu.memref_slice %arg2[%add3A, %dma_start3A_92, %dma_start3A_93] : memref<32x200x128xi32, #tpu.memory_space<hbm>> -> memref<1x200x128xi32, #tpu.memory_space<hbm>>
      %dma_start3A_95 = tpu.memref_squeeze %dma_start3A_94 : memref<1x200x128xi32, #tpu.memory_space<hbm>> -> memref<200x128xi32, #tpu.memory_space<hbm>>
      tpu.enqueue_dma source(%dma_start3A_95 : memref<200x128xi32, #tpu.memory_space<hbm>>) target(%arg5 : memref<200x128xi32, #tpu.memory_space<vmem>>) target_semaphore(%run_scoped3A : memref<!tpu.dma_semaphore, #tpu.memory_space<semaphore_mem>>)
      %dma_wait3A_96 = arith.constant 0 : i32
      %dma_wait3A_97 = arith.constant 0 : i32
      %dma_wait3A_98 = tpu.memref_slice %arg2[%add3A, %dma_wait3A_96, %dma_wait3A_97] : memref<32x200x128xi32, #tpu.memory_space<hbm>> -> memref<1x200x128xi32, #tpu.memory_space<hbm>>
      %dma_wait3A_99 = tpu.memref_squeeze %dma_wait3A_98 : memref<1x200x128xi32, #tpu.memory_space<hbm>> -> memref<200x128xi32, #tpu.memory_space<hbm>>
      %dma_wait3A_100 = arith.constant 0 : i32
      %dma_wait3A_101 = arith.constant 0 : i32
      %dma_wait3A_102 = tpu.memref_slice %arg2[%add3A, %dma_wait3A_100, %dma_wait3A_101] : memref<32x200x128xi32, #tpu.memory_space<hbm>> -> memref<1x200x128xi32, #tpu.memory_space<hbm>>
      %dma_wait3A_103 = tpu.memref_squeeze %dma_wait3A_102 : memref<1x200x128xi32, #tpu.memory_space<hbm>> -> memref<200x128xi32, #tpu.memory_space<hbm>>
      tpu.wait_dma2 semaphore(%run_scoped3A : memref<!tpu.dma_semaphore, #tpu.memory_space<semaphore_mem>>) src(%dma_wait3A_103 : memref<200x128xi32, #tpu.memory_space<hbm>>) dst(%arg5 : memref<200x128xi32, #tpu.memory_space<vmem>>)
      tpu.yield
    }) : () -> ()
    %dma_start3A = arith.constant 0 : i32
    %dma_start3A_5 = arith.constant 0 : i32
    %dma_start3A_6 = arith.constant 0 : i32
    %dma_start3A_7 = tpu.memref_slice %arg6[%dma_start3A_5, %dma_start3A_6] : memref<512x64xf32, #tpu.memory_space<vmem>> -> memref<128x64xf32, #tpu.memory_space<vmem>>
    %dma_start3A_8 = arith.constant 0 : i32
    %dma_start3A_9 = tpu.memref_slice %arg5[%dma_start3A, %dma_start3A_8] : memref<200x128xi32, #tpu.memory_space<vmem>> -> memref<1x128xi32, #tpu.memory_space<vmem>>
    %dma_start3A_10 = tpu.memref_squeeze %dma_start3A_9 : memref<1x128xi32, #tpu.memory_space<vmem>> -> memref<128xi32, #tpu.memory_space<vmem>>
    %dma_start3A_11 = arith.constant 0 : i32
    %dma_start3A_12 = arith.constant 0 : i32
    %dma_start3A_13 = tpu.memref_slice %arg3[%dma_start3A_11, %dma_start3A_12] : memref<1000000x64xf32, #tpu.memory_space<hbm>> -> memref<1000000x64xf32, #tpu.memory_space<hbm>>
    tpu.enqueue_indirect_dma source(%dma_start3A_13 : memref<1000000x64xf32, #tpu.memory_space<hbm>>) target(%dma_start3A_7 : memref<128x64xf32, #tpu.memory_space<vmem>>) offsets(%dma_start3A_10 : memref<128xi32, #tpu.memory_space<vmem>>) semaphore(%arg8 : memref<!tpu.dma_semaphore, #tpu.memory_space<semaphore_mem>>)
    %dma_start3A_14 = arith.constant 1 : i32
    %dma_start3A_15 = arith.constant 128 : i32
    %dma_start3A_16 = arith.constant 0 : i32
    %dma_start3A_17 = tpu.memref_slice %arg6[%dma_start3A_15, %dma_start3A_16] : memref<512x64xf32, #tpu.memory_space<vmem>> -> memref<128x64xf32, #tpu.memory_space<vmem>>
    %dma_start3A_18 = arith.constant 0 : i32
    %dma_start3A_19 = tpu.memref_slice %arg5[%dma_start3A_14, %dma_start3A_18] : memref<200x128xi32, #tpu.memory_space<vmem>> -> memref<1x128xi32, #tpu.memory_space<vmem>>
    %dma_start3A_20 = tpu.memref_squeeze %dma_start3A_19 : memref<1x128xi32, #tpu.memory_space<vmem>> -> memref<128xi32, #tpu.memory_space<vmem>>
    %dma_start3A_21 = arith.constant 0 : i32
    %dma_start3A_22 = arith.constant 0 : i32
    %dma_start3A_23 = tpu.memref_slice %arg3[%dma_start3A_21, %dma_start3A_22] : memref<1000000x64xf32, #tpu.memory_space<hbm>> -> memref<1000000x64xf32, #tpu.memory_space<hbm>>
    tpu.enqueue_indirect_dma source(%dma_start3A_23 : memref<1000000x64xf32, #tpu.memory_space<hbm>>) target(%dma_start3A_17 : memref<128x64xf32, #tpu.memory_space<vmem>>) offsets(%dma_start3A_20 : memref<128xi32, #tpu.memory_space<vmem>>) semaphore(%arg8 : memref<!tpu.dma_semaphore, #tpu.memory_space<semaphore_mem>>)
    %dma_start3A_24 = arith.constant 2 : i32
    %dma_start3A_25 = arith.constant 256 : i32
    %dma_start3A_26 = arith.constant 0 : i32
    %dma_start3A_27 = tpu.memref_slice %arg6[%dma_start3A_25, %dma_start3A_26] : memref<512x64xf32, #tpu.memory_space<vmem>> -> memref<128x64xf32, #tpu.memory_space<vmem>>
    %dma_start3A_28 = arith.constant 0 : i32
    %dma_start3A_29 = tpu.memref_slice %arg5[%dma_start3A_24, %dma_start3A_28] : memref<200x128xi32, #tpu.memory_space<vmem>> -> memref<1x128xi32, #tpu.memory_space<vmem>>
    %dma_start3A_30 = tpu.memref_squeeze %dma_start3A_29 : memref<1x128xi32, #tpu.memory_space<vmem>> -> memref<128xi32, #tpu.memory_space<vmem>>
    %dma_start3A_31 = arith.constant 0 : i32
    %dma_start3A_32 = arith.constant 0 : i32
    %dma_start3A_33 = tpu.memref_slice %arg3[%dma_start3A_31, %dma_start3A_32] : memref<1000000x64xf32, #tpu.memory_space<hbm>> -> memref<1000000x64xf32, #tpu.memory_space<hbm>>
    tpu.enqueue_indirect_dma source(%dma_start3A_33 : memref<1000000x64xf32, #tpu.memory_space<hbm>>) target(%dma_start3A_27 : memref<128x64xf32, #tpu.memory_space<vmem>>) offsets(%dma_start3A_30 : memref<128xi32, #tpu.memory_space<vmem>>) semaphore(%arg8 : memref<!tpu.dma_semaphore, #tpu.memory_space<semaphore_mem>>)
    %dma_start3A_34 = arith.constant 3 : i32
    %dma_start3A_35 = arith.constant 384 : i32
    %dma_start3A_36 = arith.constant 0 : i32
    %dma_start3A_37 = tpu.memref_slice %arg6[%dma_start3A_35, %dma_start3A_36] : memref<512x64xf32, #tpu.memory_space<vmem>> -> memref<128x64xf32, #tpu.memory_space<vmem>>
    %dma_start3A_38 = arith.constant 0 : i32
    %dma_start3A_39 = tpu.memref_slice %arg5[%dma_start3A_34, %dma_start3A_38] : memref<200x128xi32, #tpu.memory_space<vmem>> -> memref<1x128xi32, #tpu.memory_space<vmem>>
    %dma_start3A_40 = tpu.memref_squeeze %dma_start3A_39 : memref<1x128xi32, #tpu.memory_space<vmem>> -> memref<128xi32, #tpu.memory_space<vmem>>
    %dma_start3A_41 = arith.constant 0 : i32
    %dma_start3A_42 = arith.constant 0 : i32
    %dma_start3A_43 = tpu.memref_slice %arg3[%dma_start3A_41, %dma_start3A_42] : memref<1000000x64xf32, #tpu.memory_space<hbm>> -> memref<1000000x64xf32, #tpu.memory_space<hbm>>
    tpu.enqueue_indirect_dma source(%dma_start3A_43 : memref<1000000x64xf32, #tpu.memory_space<hbm>>) target(%dma_start3A_37 : memref<128x64xf32, #tpu.memory_space<vmem>>) offsets(%dma_start3A_40 : memref<128xi32, #tpu.memory_space<vmem>>) semaphore(%arg8 : memref<!tpu.dma_semaphore, #tpu.memory_space<semaphore_mem>>)
    %dma_wait3A = arith.constant 0 : i32
    %dma_wait3A_44 = arith.constant 0 : i32
    %dma_wait3A_45 = arith.constant 0 : i32
    %dma_wait3A_46 = tpu.memref_slice %arg6[%dma_wait3A_44, %dma_wait3A_45] : memref<512x64xf32, #tpu.memory_space<vmem>> -> memref<128x64xf32, #tpu.memory_space<vmem>>
    %dma_wait3A_47 = arith.constant 0 : i32
    %dma_wait3A_48 = tpu.memref_slice %arg5[%dma_wait3A, %dma_wait3A_47] : memref<200x128xi32, #tpu.memory_space<vmem>> -> memref<1x128xi32, #tpu.memory_space<vmem>>
    %dma_wait3A_49 = tpu.memref_squeeze %dma_wait3A_48 : memref<1x128xi32, #tpu.memory_space<vmem>> -> memref<128xi32, #tpu.memory_space<vmem>>
    %dma_wait3A_50 = arith.constant 0 : i32
    %dma_wait3A_51 = arith.constant 0 : i32
    %dma_wait3A_52 = tpu.memref_slice %arg3[%dma_wait3A_50, %dma_wait3A_51] : memref<1000000x64xf32, #tpu.memory_space<hbm>> -> memref<1000000x64xf32, #tpu.memory_space<hbm>>
    tpu.wait_indirect_dma semaphore(%arg8 : memref<!tpu.dma_semaphore, #tpu.memory_space<semaphore_mem>>) src(%dma_wait3A_52 : memref<1000000x64xf32, #tpu.memory_space<hbm>>) dst(%dma_wait3A_46 : memref<128x64xf32, #tpu.memory_space<vmem>>)
    %dma_wait3A_53 = arith.constant 1 : i32
    %dma_wait3A_54 = arith.constant 128 : i32
    %dma_wait3A_55 = arith.constant 0 : i32
    %dma_wait3A_56 = tpu.memref_slice %arg6[%dma_wait3A_54, %dma_wait3A_55] : memref<512x64xf32, #tpu.memory_space<vmem>> -> memref<128x64xf32, #tpu.memory_space<vmem>>
    %dma_wait3A_57 = arith.constant 0 : i32
    %dma_wait3A_58 = tpu.memref_slice %arg5[%dma_wait3A_53, %dma_wait3A_57] : memref<200x128xi32, #tpu.memory_space<vmem>> -> memref<1x128xi32, #tpu.memory_space<vmem>>
    %dma_wait3A_59 = tpu.memref_squeeze %dma_wait3A_58 : memref<1x128xi32, #tpu.memory_space<vmem>> -> memref<128xi32, #tpu.memory_space<vmem>>
    %dma_wait3A_60 = arith.constant 0 : i32
    %dma_wait3A_61 = arith.constant 0 : i32
    %dma_wait3A_62 = tpu.memref_slice %arg3[%dma_wait3A_60, %dma_wait3A_61] : memref<1000000x64xf32, #tpu.memory_space<hbm>> -> memref<1000000x64xf32, #tpu.memory_space<hbm>>
    tpu.wait_indirect_dma semaphore(%arg8 : memref<!tpu.dma_semaphore, #tpu.memory_space<semaphore_mem>>) src(%dma_wait3A_62 : memref<1000000x64xf32, #tpu.memory_space<hbm>>) dst(%dma_wait3A_56 : memref<128x64xf32, #tpu.memory_space<vmem>>)
    %dma_wait3A_63 = arith.constant 2 : i32
    %dma_wait3A_64 = arith.constant 256 : i32
    %dma_wait3A_65 = arith.constant 0 : i32
    %dma_wait3A_66 = tpu.memref_slice %arg6[%dma_wait3A_64, %dma_wait3A_65] : memref<512x64xf32, #tpu.memory_space<vmem>> -> memref<128x64xf32, #tpu.memory_space<vmem>>
    %dma_wait3A_67 = arith.constant 0 : i32
    %dma_wait3A_68 = tpu.memref_slice %arg5[%dma_wait3A_63, %dma_wait3A_67] : memref<200x128xi32, #tpu.memory_space<vmem>> -> memref<1x128xi32, #tpu.memory_space<vmem>>
    %dma_wait3A_69 = tpu.memref_squeeze %dma_wait3A_68 : memref<1x128xi32, #tpu.memory_space<vmem>> -> memref<128xi32, #tpu.memory_space<vmem>>
    %dma_wait3A_70 = arith.constant 0 : i32
    %dma_wait3A_71 = arith.constant 0 : i32
    %dma_wait3A_72 = tpu.memref_slice %arg3[%dma_wait3A_70, %dma_wait3A_71] : memref<1000000x64xf32, #tpu.memory_space<hbm>> -> memref<1000000x64xf32, #tpu.memory_space<hbm>>
    tpu.wait_indirect_dma semaphore(%arg8 : memref<!tpu.dma_semaphore, #tpu.memory_space<semaphore_mem>>) src(%dma_wait3A_72 : memref<1000000x64xf32, #tpu.memory_space<hbm>>) dst(%dma_wait3A_66 : memref<128x64xf32, #tpu.memory_space<vmem>>)
    %dma_wait3A_73 = arith.constant 3 : i32
    %dma_wait3A_74 = arith.constant 384 : i32
    %dma_wait3A_75 = arith.constant 0 : i32
    %dma_wait3A_76 = tpu.memref_slice %arg6[%dma_wait3A_74, %dma_wait3A_75] : memref<512x64xf32, #tpu.memory_space<vmem>> -> memref<128x64xf32, #tpu.memory_space<vmem>>
    %dma_wait3A_77 = arith.constant 0 : i32
    %dma_wait3A_78 = tpu.memref_slice %arg5[%dma_wait3A_73, %dma_wait3A_77] : memref<200x128xi32, #tpu.memory_space<vmem>> -> memref<1x128xi32, #tpu.memory_space<vmem>>
    %dma_wait3A_79 = tpu.memref_squeeze %dma_wait3A_78 : memref<1x128xi32, #tpu.memory_space<vmem>> -> memref<128xi32, #tpu.memory_space<vmem>>
    %dma_wait3A_80 = arith.constant 0 : i32
    %dma_wait3A_81 = arith.constant 0 : i32
    %dma_wait3A_82 = tpu.memref_slice %arg3[%dma_wait3A_80, %dma_wait3A_81] : memref<1000000x64xf32, #tpu.memory_space<hbm>> -> memref<1000000x64xf32, #tpu.memory_space<hbm>>
    tpu.wait_indirect_dma semaphore(%arg8 : memref<!tpu.dma_semaphore, #tpu.memory_space<semaphore_mem>>) src(%dma_wait3A_82 : memref<1000000x64xf32, #tpu.memory_space<hbm>>) dst(%dma_wait3A_76 : memref<128x64xf32, #tpu.memory_space<vmem>>)
    %scan3A = arith.constant 0 : i32
    %scan3A_83 = arith.constant 0 : i32
    %scan3A_84 = arith.constant 25 : i32
    %scan3A_85 = arith.addi %scan3A_83, %scan3A_84 : i32
    %scan3A_86 = arith.constant 1 : i32
    scf.for %scan3A_88 = %scan3A_83 to %scan3A_85 step %scan3A_86  : i32 {
      %mul3A_89 = arith.constant 2 : i32
      %mul3A_90 = arith.muli %scan3A_88, %mul3A_89 : i32
      %add3A_91 = arith.constant 1 : i32
      %add3A_92 = arith.addi %mul3A_90, %add3A_91 : i32
      %mul3A_93 = arith.constant 4 : i32
      %mul3A_94 = arith.muli %add3A_92, %mul3A_93 : i32
      %add3A_95 = arith.constant 0 : i32
      %add3A_96 = arith.addi %mul3A_94, %add3A_95 : i32
      %dma_start3A_97 = arith.constant 0 : i32
      %dma_start3A_98 = arith.constant 0 : i32
      %dma_start3A_99 = tpu.memref_slice %arg7[%dma_start3A_97, %dma_start3A_98] : memref<512x64xf32, #tpu.memory_space<vmem>> -> memref<128x64xf32, #tpu.memory_space<vmem>>
      %dma_start3A_100 = arith.constant 0 : i32
      %dma_start3A_101 = tpu.memref_slice %arg5[%add3A_96, %dma_start3A_100] : memref<200x128xi32, #tpu.memory_space<vmem>> -> memref<1x128xi32, #tpu.memory_space<vmem>>
      %dma_start3A_102 = tpu.memref_squeeze %dma_start3A_101 : memref<1x128xi32, #tpu.memory_space<vmem>> -> memref<128xi32, #tpu.memory_space<vmem>>
      %dma_start3A_103 = arith.constant 0 : i32
      %dma_start3A_104 = arith.constant 0 : i32
      %dma_start3A_105 = tpu.memref_slice %arg3[%dma_start3A_103, %dma_start3A_104] : memref<1000000x64xf32, #tpu.memory_space<hbm>> -> memref<1000000x64xf32, #tpu.memory_space<hbm>>
      tpu.enqueue_indirect_dma source(%dma_start3A_105 : memref<1000000x64xf32, #tpu.memory_space<hbm>>) target(%dma_start3A_99 : memref<128x64xf32, #tpu.memory_space<vmem>>) offsets(%dma_start3A_102 : memref<128xi32, #tpu.memory_space<vmem>>) semaphore(%arg9 : memref<!tpu.dma_semaphore, #tpu.memory_space<semaphore_mem>>)
      %mul3A_106 = arith.constant 4 : i32
      %mul3A_107 = arith.muli %add3A_92, %mul3A_106 : i32
      %add3A_108 = arith.constant 1 : i32
      %add3A_109 = arith.addi %mul3A_107, %add3A_108 : i32
      %dma_start3A_110 = arith.constant 128 : i32
      %dma_start3A_111 = arith.constant 0 : i32
      %dma_start3A_112 = tpu.memref_slice %arg7[%dma_start3A_110, %dma_start3A_111] : memref<512x64xf32, #tpu.memory_space<vmem>> -> memref<128x64xf32, #tpu.memory_space<vmem>>
      %dma_start3A_113 = arith.constant 0 : i32
      %dma_start3A_114 = tpu.memref_slice %arg5[%add3A_109, %dma_start3A_113] : memref<200x128xi32, #tpu.memory_space<vmem>> -> memref<1x128xi32, #tpu.memory_space<vmem>>
      %dma_start3A_115 = tpu.memref_squeeze %dma_start3A_114 : memref<1x128xi32, #tpu.memory_space<vmem>> -> memref<128xi32, #tpu.memory_space<vmem>>
      %dma_start3A_116 = arith.constant 0 : i32
      %dma_start3A_117 = arith.constant 0 : i32
      %dma_start3A_118 = tpu.memref_slice %arg3[%dma_start3A_116, %dma_start3A_117] : memref<1000000x64xf32, #tpu.memory_space<hbm>> -> memref<1000000x64xf32, #tpu.memory_space<hbm>>
      tpu.enqueue_indirect_dma source(%dma_start3A_118 : memref<1000000x64xf32, #tpu.memory_space<hbm>>) target(%dma_start3A_112 : memref<128x64xf32, #tpu.memory_space<vmem>>) offsets(%dma_start3A_115 : memref<128xi32, #tpu.memory_space<vmem>>) semaphore(%arg9 : memref<!tpu.dma_semaphore, #tpu.memory_space<semaphore_mem>>)
      %mul3A_119 = arith.constant 4 : i32
      %mul3A_120 = arith.muli %add3A_92, %mul3A_119 : i32
      %add3A_121 = arith.constant 2 : i32
      %add3A_122 = arith.addi %mul3A_120, %add3A_121 : i32
      %dma_start3A_123 = arith.constant 256 : i32
      %dma_start3A_124 = arith.constant 0 : i32
      %dma_start3A_125 = tpu.memref_slice %arg7[%dma_start3A_123, %dma_start3A_124] : memref<512x64xf32, #tpu.memory_space<vmem>> -> memref<128x64xf32, #tpu.memory_space<vmem>>
      %dma_start3A_126 = arith.constant 0 : i32
      %dma_start3A_127 = tpu.memref_slice %arg5[%add3A_122, %dma_start3A_126] : memref<200x128xi32, #tpu.memory_space<vmem>> -> memref<1x128xi32, #tpu.memory_space<vmem>>
      %dma_start3A_128 = tpu.memref_squeeze %dma_start3A_127 : memref<1x128xi32, #tpu.memory_space<vmem>> -> memref<128xi32, #tpu.memory_space<vmem>>
      %dma_start3A_129 = arith.constant 0 : i32
      %dma_start3A_130 = arith.constant 0 : i32
      %dma_start3A_131 = tpu.memref_slice %arg3[%dma_start3A_129, %dma_start3A_130] : memref<1000000x64xf32, #tpu.memory_space<hbm>> -> memref<1000000x64xf32, #tpu.memory_space<hbm>>
      tpu.enqueue_indirect_dma source(%dma_start3A_131 : memref<1000000x64xf32, #tpu.memory_space<hbm>>) target(%dma_start3A_125 : memref<128x64xf32, #tpu.memory_space<vmem>>) offsets(%dma_start3A_128 : memref<128xi32, #tpu.memory_space<vmem>>) semaphore(%arg9 : memref<!tpu.dma_semaphore, #tpu.memory_space<semaphore_mem>>)
      %mul3A_132 = arith.constant 4 : i32
      %mul3A_133 = arith.muli %add3A_92, %mul3A_132 : i32
      %add3A_134 = arith.constant 3 : i32
      %add3A_135 = arith.addi %mul3A_133, %add3A_134 : i32
      %dma_start3A_136 = arith.constant 384 : i32
      %dma_start3A_137 = arith.constant 0 : i32
      %dma_start3A_138 = tpu.memref_slice %arg7[%dma_start3A_136, %dma_start3A_137] : memref<512x64xf32, #tpu.memory_space<vmem>> -> memref<128x64xf32, #tpu.memory_space<vmem>>
      %dma_start3A_139 = arith.constant 0 : i32
      %dma_start3A_140 = tpu.memref_slice %arg5[%add3A_135, %dma_start3A_139] : memref<200x128xi32, #tpu.memory_space<vmem>> -> memref<1x128xi32, #tpu.memory_space<vmem>>
      %dma_start3A_141 = tpu.memref_squeeze %dma_start3A_140 : memref<1x128xi32, #tpu.memory_space<vmem>> -> memref<128xi32, #tpu.memory_space<vmem>>
      %dma_start3A_142 = arith.constant 0 : i32
      %dma_start3A_143 = arith.constant 0 : i32
      %dma_start3A_144 = tpu.memref_slice %arg3[%dma_start3A_142, %dma_start3A_143] : memref<1000000x64xf32, #tpu.memory_space<hbm>> -> memref<1000000x64xf32, #tpu.memory_space<hbm>>
      tpu.enqueue_indirect_dma source(%dma_start3A_144 : memref<1000000x64xf32, #tpu.memory_space<hbm>>) target(%dma_start3A_138 : memref<128x64xf32, #tpu.memory_space<vmem>>) offsets(%dma_start3A_141 : memref<128xi32, #tpu.memory_space<vmem>>) semaphore(%arg9 : memref<!tpu.dma_semaphore, #tpu.memory_space<semaphore_mem>>)
      %mul3A_145 = arith.constant 512 : i32
      %mul3A_146 = arith.muli %mul3A_90, %mul3A_145 : i32
      %add3A_147 = arith.addi %mul3A_4, %mul3A_146 : i32
      %dma_start3A_148 = arith.constant 0 : i32
      %dma_start3A_149 = tpu.memref_slice %arg4[%add3A_147, %dma_start3A_148] : memref<819200x64xf32, #tpu.memory_space<hbm>> -> memref<512x64xf32, #tpu.memory_space<hbm>>
      %dma_start3A_150 = arith.constant 0 : i32
      %dma_start3A_151 = tpu.memref_slice %arg4[%add3A_147, %dma_start3A_150] : memref<819200x64xf32, #tpu.memory_space<hbm>> -> memref<512x64xf32, #tpu.memory_space<hbm>>
      tpu.enqueue_dma source(%arg6 : memref<512x64xf32, #tpu.memory_space<vmem>>) target(%dma_start3A_151 : memref<512x64xf32, #tpu.memory_space<hbm>>) target_semaphore(%arg10 : memref<!tpu.dma_semaphore, #tpu.memory_space<semaphore_mem>>)
      %dma_wait3A_152 = arith.constant 0 : i32
      %dma_wait3A_153 = tpu.memref_slice %arg4[%add3A_147, %dma_wait3A_152] : memref<819200x64xf32, #tpu.memory_space<hbm>> -> memref<512x64xf32, #tpu.memory_space<hbm>>
      %dma_wait3A_154 = arith.constant 0 : i32
      %dma_wait3A_155 = tpu.memref_slice %arg4[%add3A_147, %dma_wait3A_154] : memref<819200x64xf32, #tpu.memory_space<hbm>> -> memref<512x64xf32, #tpu.memory_space<hbm>>
      tpu.wait_dma2 semaphore(%arg10 : memref<!tpu.dma_semaphore, #tpu.memory_space<semaphore_mem>>) src(%arg6 : memref<512x64xf32, #tpu.memory_space<vmem>>) dst(%dma_wait3A_155 : memref<512x64xf32, #tpu.memory_space<hbm>>)
      %add3A_156 = arith.constant 2 : i32
      %add3A_157 = arith.addi %mul3A_90, %add3A_156 : i32
      %lt3A = arith.constant 50 : i32
      %lt3A_158 = arith.cmpi slt, %add3A_157, %lt3A : i32
      %convert_element_type3A = arith.extui %lt3A_158 : i1 to i32
      %cond3A = arith.constant 0 : i32
      %cond3A_159 = arith.cmpi ne, %convert_element_type3A, %cond3A : i32
      scf.if %cond3A_159 {
        %add3A_166 = arith.constant 2 : i32
        %add3A_167 = arith.addi %mul3A_90, %add3A_166 : i32
        %mul3A_168 = arith.constant 4 : i32
        %mul3A_169 = arith.muli %add3A_167, %mul3A_168 : i32
        %add3A_170 = arith.constant 0 : i32
        %add3A_171 = arith.addi %mul3A_169, %add3A_170 : i32
        %dma_start3A_172 = arith.constant 0 : i32
        %dma_start3A_173 = arith.constant 0 : i32
        %dma_start3A_174 = tpu.memref_slice %arg6[%dma_start3A_172, %dma_start3A_173] : memref<512x64xf32, #tpu.memory_space<vmem>> -> memref<128x64xf32, #tpu.memory_space<vmem>>
        %dma_start3A_175 = arith.constant 0 : i32
        %dma_start3A_176 = tpu.memref_slice %arg5[%add3A_171, %dma_start3A_175] : memref<200x128xi32, #tpu.memory_space<vmem>> -> memref<1x128xi32, #tpu.memory_space<vmem>>
        %dma_start3A_177 = tpu.memref_squeeze %dma_start3A_176 : memref<1x128xi32, #tpu.memory_space<vmem>> -> memref<128xi32, #tpu.memory_space<vmem>>
        %dma_start3A_178 = arith.constant 0 : i32
        %dma_start3A_179 = arith.constant 0 : i32
        %dma_start3A_180 = tpu.memref_slice %arg3[%dma_start3A_178, %dma_start3A_179] : memref<1000000x64xf32, #tpu.memory_space<hbm>> -> memref<1000000x64xf32, #tpu.memory_space<hbm>>
        tpu.enqueue_indirect_dma source(%dma_start3A_180 : memref<1000000x64xf32, #tpu.memory_space<hbm>>) target(%dma_start3A_174 : memref<128x64xf32, #tpu.memory_space<vmem>>) offsets(%dma_start3A_177 : memref<128xi32, #tpu.memory_space<vmem>>) semaphore(%arg8 : memref<!tpu.dma_semaphore, #tpu.memory_space<semaphore_mem>>)
        %mul3A_181 = arith.constant 4 : i32
        %mul3A_182 = arith.muli %add3A_167, %mul3A_181 : i32
        %add3A_183 = arith.constant 1 : i32
        %add3A_184 = arith.addi %mul3A_182, %add3A_183 : i32
        %dma_start3A_185 = arith.constant 128 : i32
        %dma_start3A_186 = arith.constant 0 : i32
        %dma_start3A_187 = tpu.memref_slice %arg6[%dma_start3A_185, %dma_start3A_186] : memref<512x64xf32, #tpu.memory_space<vmem>> -> memref<128x64xf32, #tpu.memory_space<vmem>>
        %dma_start3A_188 = arith.constant 0 : i32
        %dma_start3A_189 = tpu.memref_slice %arg5[%add3A_184, %dma_start3A_188] : memref<200x128xi32, #tpu.memory_space<vmem>> -> memref<1x128xi32, #tpu.memory_space<vmem>>
        %dma_start3A_190 = tpu.memref_squeeze %dma_start3A_189 : memref<1x128xi32, #tpu.memory_space<vmem>> -> memref<128xi32, #tpu.memory_space<vmem>>
        %dma_start3A_191 = arith.constant 0 : i32
        %dma_start3A_192 = arith.constant 0 : i32
        %dma_start3A_193 = tpu.memref_slice %arg3[%dma_start3A_191, %dma_start3A_192] : memref<1000000x64xf32, #tpu.memory_space<hbm>> -> memref<1000000x64xf32, #tpu.memory_space<hbm>>
        tpu.enqueue_indirect_dma source(%dma_start3A_193 : memref<1000000x64xf32, #tpu.memory_space<hbm>>) target(%dma_start3A_187 : memref<128x64xf32, #tpu.memory_space<vmem>>) offsets(%dma_start3A_190 : memref<128xi32, #tpu.memory_space<vmem>>) semaphore(%arg8 : memref<!tpu.dma_semaphore, #tpu.memory_space<semaphore_mem>>)
        %mul3A_194 = arith.constant 4 : i32
        %mul3A_195 = arith.muli %add3A_167, %mul3A_194 : i32
        %add3A_196 = arith.constant 2 : i32
        %add3A_197 = arith.addi %mul3A_195, %add3A_196 : i32
        %dma_start3A_198 = arith.constant 256 : i32
        %dma_start3A_199 = arith.constant 0 : i32
        %dma_start3A_200 = tpu.memref_slice %arg6[%dma_start3A_198, %dma_start3A_199] : memref<512x64xf32, #tpu.memory_space<vmem>> -> memref<128x64xf32, #tpu.memory_space<vmem>>
        %dma_start3A_201 = arith.constant 0 : i32
        %dma_start3A_202 = tpu.memref_slice %arg5[%add3A_197, %dma_start3A_201] : memref<200x128xi32, #tpu.memory_space<vmem>> -> memref<1x128xi32, #tpu.memory_space<vmem>>
        %dma_start3A_203 = tpu.memref_squeeze %dma_start3A_202 : memref<1x128xi32, #tpu.memory_space<vmem>> -> memref<128xi32, #tpu.memory_space<vmem>>
        %dma_start3A_204 = arith.constant 0 : i32
        %dma_start3A_205 = arith.constant 0 : i32
        %dma_start3A_206 = tpu.memref_slice %arg3[%dma_start3A_204, %dma_start3A_205] : memref<1000000x64xf32, #tpu.memory_space<hbm>> -> memref<1000000x64xf32, #tpu.memory_space<hbm>>
        tpu.enqueue_indirect_dma source(%dma_start3A_206 : memref<1000000x64xf32, #tpu.memory_space<hbm>>) target(%dma_start3A_200 : memref<128x64xf32, #tpu.memory_space<vmem>>) offsets(%dma_start3A_203 : memref<128xi32, #tpu.memory_space<vmem>>) semaphore(%arg8 : memref<!tpu.dma_semaphore, #tpu.memory_space<semaphore_mem>>)
        %mul3A_207 = arith.constant 4 : i32
        %mul3A_208 = arith.muli %add3A_167, %mul3A_207 : i32
        %add3A_209 = arith.constant 3 : i32
        %add3A_210 = arith.addi %mul3A_208, %add3A_209 : i32
        %dma_start3A_211 = arith.constant 384 : i32
        %dma_start3A_212 = arith.constant 0 : i32
        %dma_start3A_213 = tpu.memref_slice %arg6[%dma_start3A_211, %dma_start3A_212] : memref<512x64xf32, #tpu.memory_space<vmem>> -> memref<128x64xf32, #tpu.memory_space<vmem>>
        %dma_start3A_214 = arith.constant 0 : i32
        %dma_start3A_215 = tpu.memref_slice %arg5[%add3A_210, %dma_start3A_214] : memref<200x128xi32, #tpu.memory_space<vmem>> -> memref<1x128xi32, #tpu.memory_space<vmem>>
        %dma_start3A_216 = tpu.memref_squeeze %dma_start3A_215 : memref<1x128xi32, #tpu.memory_space<vmem>> -> memref<128xi32, #tpu.memory_space<vmem>>
        %dma_start3A_217 = arith.constant 0 : i32
        %dma_start3A_218 = arith.constant 0 : i32
        %dma_start3A_219 = tpu.memref_slice %arg3[%dma_start3A_217, %dma_start3A_218] : memref<1000000x64xf32, #tpu.memory_space<hbm>> -> memref<1000000x64xf32, #tpu.memory_space<hbm>>
        tpu.enqueue_indirect_dma source(%dma_start3A_219 : memref<1000000x64xf32, #tpu.memory_space<hbm>>) target(%dma_start3A_213 : memref<128x64xf32, #tpu.memory_space<vmem>>) offsets(%dma_start3A_216 : memref<128xi32, #tpu.memory_space<vmem>>) semaphore(%arg8 : memref<!tpu.dma_semaphore, #tpu.memory_space<semaphore_mem>>)
        %dma_wait3A_220 = arith.constant 0 : i32
        %dma_wait3A_221 = arith.constant 0 : i32
        %dma_wait3A_222 = tpu.memref_slice %arg7[%dma_wait3A_220, %dma_wait3A_221] : memref<512x64xf32, #tpu.memory_space<vmem>> -> memref<128x64xf32, #tpu.memory_space<vmem>>
        %dma_wait3A_223 = arith.constant 0 : i32
        %dma_wait3A_224 = tpu.memref_slice %arg5[%add3A_96, %dma_wait3A_223] : memref<200x128xi32, #tpu.memory_space<vmem>> -> memref<1x128xi32, #tpu.memory_space<vmem>>
        %dma_wait3A_225 = tpu.memref_squeeze %dma_wait3A_224 : memref<1x128xi32, #tpu.memory_space<vmem>> -> memref<128xi32, #tpu.memory_space<vmem>>
        %dma_wait3A_226 = arith.constant 0 : i32
        %dma_wait3A_227 = arith.constant 0 : i32
        %dma_wait3A_228 = tpu.memref_slice %arg3[%dma_wait3A_226, %dma_wait3A_227] : memref<1000000x64xf32, #tpu.memory_space<hbm>> -> memref<1000000x64xf32, #tpu.memory_space<hbm>>
        tpu.wait_indirect_dma semaphore(%arg9 : memref<!tpu.dma_semaphore, #tpu.memory_space<semaphore_mem>>) src(%dma_wait3A_228 : memref<1000000x64xf32, #tpu.memory_space<hbm>>) dst(%dma_wait3A_222 : memref<128x64xf32, #tpu.memory_space<vmem>>)
        %dma_wait3A_229 = arith.constant 128 : i32
        %dma_wait3A_230 = arith.constant 0 : i32
        %dma_wait3A_231 = tpu.memref_slice %arg7[%dma_wait3A_229, %dma_wait3A_230] : memref<512x64xf32, #tpu.memory_space<vmem>> -> memref<128x64xf32, #tpu.memory_space<vmem>>
        %dma_wait3A_232 = arith.constant 0 : i32
        %dma_wait3A_233 = tpu.memref_slice %arg5[%add3A_109, %dma_wait3A_232] : memref<200x128xi32, #tpu.memory_space<vmem>> -> memref<1x128xi32, #tpu.memory_space<vmem>>
        %dma_wait3A_234 = tpu.memref_squeeze %dma_wait3A_233 : memref<1x128xi32, #tpu.memory_space<vmem>> -> memref<128xi32, #tpu.memory_space<vmem>>
        %dma_wait3A_235 = arith.constant 0 : i32
        %dma_wait3A_236 = arith.constant 0 : i32
        %dma_wait3A_237 = tpu.memref_slice %arg3[%dma_wait3A_235, %dma_wait3A_236] : memref<1000000x64xf32, #tpu.memory_space<hbm>> -> memref<1000000x64xf32, #tpu.memory_space<hbm>>
        tpu.wait_indirect_dma semaphore(%arg9 : memref<!tpu.dma_semaphore, #tpu.memory_space<semaphore_mem>>) src(%dma_wait3A_237 : memref<1000000x64xf32, #tpu.memory_space<hbm>>) dst(%dma_wait3A_231 : memref<128x64xf32, #tpu.memory_space<vmem>>)
        %dma_wait3A_238 = arith.constant 256 : i32
        %dma_wait3A_239 = arith.constant 0 : i32
        %dma_wait3A_240 = tpu.memref_slice %arg7[%dma_wait3A_238, %dma_wait3A_239] : memref<512x64xf32, #tpu.memory_space<vmem>> -> memref<128x64xf32, #tpu.memory_space<vmem>>
        %dma_wait3A_241 = arith.constant 0 : i32
        %dma_wait3A_242 = tpu.memref_slice %arg5[%add3A_122, %dma_wait3A_241] : memref<200x128xi32, #tpu.memory_space<vmem>> -> memref<1x128xi32, #tpu.memory_space<vmem>>
        %dma_wait3A_243 = tpu.memref_squeeze %dma_wait3A_242 : memref<1x128xi32, #tpu.memory_space<vmem>> -> memref<128xi32, #tpu.memory_space<vmem>>
        %dma_wait3A_244 = arith.constant 0 : i32
        %dma_wait3A_245 = arith.constant 0 : i32
        %dma_wait3A_246 = tpu.memref_slice %arg3[%dma_wait3A_244, %dma_wait3A_245] : memref<1000000x64xf32, #tpu.memory_space<hbm>> -> memref<1000000x64xf32, #tpu.memory_space<hbm>>
        tpu.wait_indirect_dma semaphore(%arg9 : memref<!tpu.dma_semaphore, #tpu.memory_space<semaphore_mem>>) src(%dma_wait3A_246 : memref<1000000x64xf32, #tpu.memory_space<hbm>>) dst(%dma_wait3A_240 : memref<128x64xf32, #tpu.memory_space<vmem>>)
        %dma_wait3A_247 = arith.constant 384 : i32
        %dma_wait3A_248 = arith.constant 0 : i32
        %dma_wait3A_249 = tpu.memref_slice %arg7[%dma_wait3A_247, %dma_wait3A_248] : memref<512x64xf32, #tpu.memory_space<vmem>> -> memref<128x64xf32, #tpu.memory_space<vmem>>
        %dma_wait3A_250 = arith.constant 0 : i32
        %dma_wait3A_251 = tpu.memref_slice %arg5[%add3A_135, %dma_wait3A_250] : memref<200x128xi32, #tpu.memory_space<vmem>> -> memref<1x128xi32, #tpu.memory_space<vmem>>
        %dma_wait3A_252 = tpu.memref_squeeze %dma_wait3A_251 : memref<1x128xi32, #tpu.memory_space<vmem>> -> memref<128xi32, #tpu.memory_space<vmem>>
        %dma_wait3A_253 = arith.constant 0 : i32
        %dma_wait3A_254 = arith.constant 0 : i32
        %dma_wait3A_255 = tpu.memref_slice %arg3[%dma_wait3A_253, %dma_wait3A_254] : memref<1000000x64xf32, #tpu.memory_space<hbm>> -> memref<1000000x64xf32, #tpu.memory_space<hbm>>
        tpu.wait_indirect_dma semaphore(%arg9 : memref<!tpu.dma_semaphore, #tpu.memory_space<semaphore_mem>>) src(%dma_wait3A_255 : memref<1000000x64xf32, #tpu.memory_space<hbm>>) dst(%dma_wait3A_249 : memref<128x64xf32, #tpu.memory_space<vmem>>)
        %add3A_256 = arith.constant 1 : i32
        %add3A_257 = arith.addi %mul3A_90, %add3A_256 : i32
        %mul3A_258 = arith.constant 512 : i32
        %mul3A_259 = arith.muli %add3A_257, %mul3A_258 : i32
        %add3A_260 = arith.addi %mul3A_4, %mul3A_259 : i32
        %dma_start3A_261 = arith.constant 0 : i32
        %dma_start3A_262 = tpu.memref_slice %arg4[%add3A_260, %dma_start3A_261] : memref<819200x64xf32, #tpu.memory_space<hbm>> -> memref<512x64xf32, #tpu.memory_space<hbm>>
        %dma_start3A_263 = arith.constant 0 : i32
        %dma_start3A_264 = tpu.memref_slice %arg4[%add3A_260, %dma_start3A_263] : memref<819200x64xf32, #tpu.memory_space<hbm>> -> memref<512x64xf32, #tpu.memory_space<hbm>>
        tpu.enqueue_dma source(%arg7 : memref<512x64xf32, #tpu.memory_space<vmem>>) target(%dma_start3A_264 : memref<512x64xf32, #tpu.memory_space<hbm>>) target_semaphore(%arg11 : memref<!tpu.dma_semaphore, #tpu.memory_space<semaphore_mem>>)
        %dma_wait3A_265 = arith.constant 0 : i32
        %dma_wait3A_266 = tpu.memref_slice %arg4[%add3A_260, %dma_wait3A_265] : memref<819200x64xf32, #tpu.memory_space<hbm>> -> memref<512x64xf32, #tpu.memory_space<hbm>>
        %dma_wait3A_267 = arith.constant 0 : i32
        %dma_wait3A_268 = tpu.memref_slice %arg4[%add3A_260, %dma_wait3A_267] : memref<819200x64xf32, #tpu.memory_space<hbm>> -> memref<512x64xf32, #tpu.memory_space<hbm>>
        tpu.wait_dma2 semaphore(%arg11 : memref<!tpu.dma_semaphore, #tpu.memory_space<semaphore_mem>>) src(%arg7 : memref<512x64xf32, #tpu.memory_space<vmem>>) dst(%dma_wait3A_268 : memref<512x64xf32, #tpu.memory_space<hbm>>)
        %dma_wait3A_269 = arith.constant 0 : i32
        %dma_wait3A_270 = arith.constant 0 : i32
        %dma_wait3A_271 = tpu.memref_slice %arg6[%dma_wait3A_269, %dma_wait3A_270] : memref<512x64xf32, #tpu.memory_space<vmem>> -> memref<128x64xf32, #tpu.memory_space<vmem>>
        %dma_wait3A_272 = arith.constant 0 : i32
        %dma_wait3A_273 = tpu.memref_slice %arg5[%add3A_171, %dma_wait3A_272] : memref<200x128xi32, #tpu.memory_space<vmem>> -> memref<1x128xi32, #tpu.memory_space<vmem>>
        %dma_wait3A_274 = tpu.memref_squeeze %dma_wait3A_273 : memref<1x128xi32, #tpu.memory_space<vmem>> -> memref<128xi32, #tpu.memory_space<vmem>>
        %dma_wait3A_275 = arith.constant 0 : i32
        %dma_wait3A_276 = arith.constant 0 : i32
        %dma_wait3A_277 = tpu.memref_slice %arg3[%dma_wait3A_275, %dma_wait3A_276] : memref<1000000x64xf32, #tpu.memory_space<hbm>> -> memref<1000000x64xf32, #tpu.memory_space<hbm>>
        tpu.wait_indirect_dma semaphore(%arg8 : memref<!tpu.dma_semaphore, #tpu.memory_space<semaphore_mem>>) src(%dma_wait3A_277 : memref<1000000x64xf32, #tpu.memory_space<hbm>>) dst(%dma_wait3A_271 : memref<128x64xf32, #tpu.memory_space<vmem>>)
        %dma_wait3A_278 = arith.constant 128 : i32
        %dma_wait3A_279 = arith.constant 0 : i32
        %dma_wait3A_280 = tpu.memref_slice %arg6[%dma_wait3A_278, %dma_wait3A_279] : memref<512x64xf32, #tpu.memory_space<vmem>> -> memref<128x64xf32, #tpu.memory_space<vmem>>
        %dma_wait3A_281 = arith.constant 0 : i32
        %dma_wait3A_282 = tpu.memref_slice %arg5[%add3A_184, %dma_wait3A_281] : memref<200x128xi32, #tpu.memory_space<vmem>> -> memref<1x128xi32, #tpu.memory_space<vmem>>
        %dma_wait3A_283 = tpu.memref_squeeze %dma_wait3A_282 : memref<1x128xi32, #tpu.memory_space<vmem>> -> memref<128xi32, #tpu.memory_space<vmem>>
        %dma_wait3A_284 = arith.constant 0 : i32
        %dma_wait3A_285 = arith.constant 0 : i32
        %dma_wait3A_286 = tpu.memref_slice %arg3[%dma_wait3A_284, %dma_wait3A_285] : memref<1000000x64xf32, #tpu.memory_space<hbm>> -> memref<1000000x64xf32, #tpu.memory_space<hbm>>
        tpu.wait_indirect_dma semaphore(%arg8 : memref<!tpu.dma_semaphore, #tpu.memory_space<semaphore_mem>>) src(%dma_wait3A_286 : memref<1000000x64xf32, #tpu.memory_space<hbm>>) dst(%dma_wait3A_280 : memref<128x64xf32, #tpu.memory_space<vmem>>)
        %dma_wait3A_287 = arith.constant 256 : i32
        %dma_wait3A_288 = arith.constant 0 : i32
        %dma_wait3A_289 = tpu.memref_slice %arg6[%dma_wait3A_287, %dma_wait3A_288] : memref<512x64xf32, #tpu.memory_space<vmem>> -> memref<128x64xf32, #tpu.memory_space<vmem>>
        %dma_wait3A_290 = arith.constant 0 : i32
        %dma_wait3A_291 = tpu.memref_slice %arg5[%add3A_197, %dma_wait3A_290] : memref<200x128xi32, #tpu.memory_space<vmem>> -> memref<1x128xi32, #tpu.memory_space<vmem>>
        %dma_wait3A_292 = tpu.memref_squeeze %dma_wait3A_291 : memref<1x128xi32, #tpu.memory_space<vmem>> -> memref<128xi32, #tpu.memory_space<vmem>>
        %dma_wait3A_293 = arith.constant 0 : i32
        %dma_wait3A_294 = arith.constant 0 : i32
        %dma_wait3A_295 = tpu.memref_slice %arg3[%dma_wait3A_293, %dma_wait3A_294] : memref<1000000x64xf32, #tpu.memory_space<hbm>> -> memref<1000000x64xf32, #tpu.memory_space<hbm>>
        tpu.wait_indirect_dma semaphore(%arg8 : memref<!tpu.dma_semaphore, #tpu.memory_space<semaphore_mem>>) src(%dma_wait3A_295 : memref<1000000x64xf32, #tpu.memory_space<hbm>>) dst(%dma_wait3A_289 : memref<128x64xf32, #tpu.memory_space<vmem>>)
        %dma_wait3A_296 = arith.constant 384 : i32
        %dma_wait3A_297 = arith.constant 0 : i32
        %dma_wait3A_298 = tpu.memref_slice %arg6[%dma_wait3A_296, %dma_wait3A_297] : memref<512x64xf32, #tpu.memory_space<vmem>> -> memref<128x64xf32, #tpu.memory_space<vmem>>
        %dma_wait3A_299 = arith.constant 0 : i32
        %dma_wait3A_300 = tpu.memref_slice %arg5[%add3A_210, %dma_wait3A_299] : memref<200x128xi32, #tpu.memory_space<vmem>> -> memref<1x128xi32, #tpu.memory_space<vmem>>
        %dma_wait3A_301 = tpu.memref_squeeze %dma_wait3A_300 : memref<1x128xi32, #tpu.memory_space<vmem>> -> memref<128xi32, #tpu.memory_space<vmem>>
        %dma_wait3A_302 = arith.constant 0 : i32
        %dma_wait3A_303 = arith.constant 0 : i32
        %dma_wait3A_304 = tpu.memref_slice %arg3[%dma_wait3A_302, %dma_wait3A_303] : memref<1000000x64xf32, #tpu.memory_space<hbm>> -> memref<1000000x64xf32, #tpu.memory_space<hbm>>
        tpu.wait_indirect_dma semaphore(%arg8 : memref<!tpu.dma_semaphore, #tpu.memory_space<semaphore_mem>>) src(%dma_wait3A_304 : memref<1000000x64xf32, #tpu.memory_space<hbm>>) dst(%dma_wait3A_298 : memref<128x64xf32, #tpu.memory_space<vmem>>)
      } else {
      }
      %add3A_160 = arith.constant 2 : i32
      %add3A_161 = arith.addi %mul3A_90, %add3A_160 : i32
      %ge3A = arith.constant 50 : i32
      %ge3A_162 = arith.cmpi sge, %add3A_161, %ge3A : i32
      %convert_element_type3A_163 = arith.extui %ge3A_162 : i1 to i32
      %cond3A_164 = arith.constant 0 : i32
      %cond3A_165 = arith.cmpi ne, %convert_element_type3A_163, %cond3A_164 : i32
      scf.if %cond3A_165 {
        %dma_wait3A_166 = arith.constant 0 : i32
        %dma_wait3A_167 = arith.constant 0 : i32
        %dma_wait3A_168 = tpu.memref_slice %arg7[%dma_wait3A_166, %dma_wait3A_167] : memref<512x64xf32, #tpu.memory_space<vmem>> -> memref<128x64xf32, #tpu.memory_space<vmem>>
        %dma_wait3A_169 = arith.constant 0 : i32
        %dma_wait3A_170 = tpu.memref_slice %arg5[%add3A_96, %dma_wait3A_169] : memref<200x128xi32, #tpu.memory_space<vmem>> -> memref<1x128xi32, #tpu.memory_space<vmem>>
        %dma_wait3A_171 = tpu.memref_squeeze %dma_wait3A_170 : memref<1x128xi32, #tpu.memory_space<vmem>> -> memref<128xi32, #tpu.memory_space<vmem>>
        %dma_wait3A_172 = arith.constant 0 : i32
        %dma_wait3A_173 = arith.constant 0 : i32
        %dma_wait3A_174 = tpu.memref_slice %arg3[%dma_wait3A_172, %dma_wait3A_173] : memref<1000000x64xf32, #tpu.memory_space<hbm>> -> memref<1000000x64xf32, #tpu.memory_space<hbm>>
        tpu.wait_indirect_dma semaphore(%arg9 : memref<!tpu.dma_semaphore, #tpu.memory_space<semaphore_mem>>) src(%dma_wait3A_174 : memref<1000000x64xf32, #tpu.memory_space<hbm>>) dst(%dma_wait3A_168 : memref<128x64xf32, #tpu.memory_space<vmem>>)
        %dma_wait3A_175 = arith.constant 128 : i32
        %dma_wait3A_176 = arith.constant 0 : i32
        %dma_wait3A_177 = tpu.memref_slice %arg7[%dma_wait3A_175, %dma_wait3A_176] : memref<512x64xf32, #tpu.memory_space<vmem>> -> memref<128x64xf32, #tpu.memory_space<vmem>>
        %dma_wait3A_178 = arith.constant 0 : i32
        %dma_wait3A_179 = tpu.memref_slice %arg5[%add3A_109, %dma_wait3A_178] : memref<200x128xi32, #tpu.memory_space<vmem>> -> memref<1x128xi32, #tpu.memory_space<vmem>>
        %dma_wait3A_180 = tpu.memref_squeeze %dma_wait3A_179 : memref<1x128xi32, #tpu.memory_space<vmem>> -> memref<128xi32, #tpu.memory_space<vmem>>
        %dma_wait3A_181 = arith.constant 0 : i32
        %dma_wait3A_182 = arith.constant 0 : i32
        %dma_wait3A_183 = tpu.memref_slice %arg3[%dma_wait3A_181, %dma_wait3A_182] : memref<1000000x64xf32, #tpu.memory_space<hbm>> -> memref<1000000x64xf32, #tpu.memory_space<hbm>>
        tpu.wait_indirect_dma semaphore(%arg9 : memref<!tpu.dma_semaphore, #tpu.memory_space<semaphore_mem>>) src(%dma_wait3A_183 : memref<1000000x64xf32, #tpu.memory_space<hbm>>) dst(%dma_wait3A_177 : memref<128x64xf32, #tpu.memory_space<vmem>>)
        %dma_wait3A_184 = arith.constant 256 : i32
        %dma_wait3A_185 = arith.constant 0 : i32
        %dma_wait3A_186 = tpu.memref_slice %arg7[%dma_wait3A_184, %dma_wait3A_185] : memref<512x64xf32, #tpu.memory_space<vmem>> -> memref<128x64xf32, #tpu.memory_space<vmem>>
        %dma_wait3A_187 = arith.constant 0 : i32
        %dma_wait3A_188 = tpu.memref_slice %arg5[%add3A_122, %dma_wait3A_187] : memref<200x128xi32, #tpu.memory_space<vmem>> -> memref<1x128xi32, #tpu.memory_space<vmem>>
        %dma_wait3A_189 = tpu.memref_squeeze %dma_wait3A_188 : memref<1x128xi32, #tpu.memory_space<vmem>> -> memref<128xi32, #tpu.memory_space<vmem>>
        %dma_wait3A_190 = arith.constant 0 : i32
        %dma_wait3A_191 = arith.constant 0 : i32
        %dma_wait3A_192 = tpu.memref_slice %arg3[%dma_wait3A_190, %dma_wait3A_191] : memref<1000000x64xf32, #tpu.memory_space<hbm>> -> memref<1000000x64xf32, #tpu.memory_space<hbm>>
        tpu.wait_indirect_dma semaphore(%arg9 : memref<!tpu.dma_semaphore, #tpu.memory_space<semaphore_mem>>) src(%dma_wait3A_192 : memref<1000000x64xf32, #tpu.memory_space<hbm>>) dst(%dma_wait3A_186 : memref<128x64xf32, #tpu.memory_space<vmem>>)
        %dma_wait3A_193 = arith.constant 384 : i32
        %dma_wait3A_194 = arith.constant 0 : i32
        %dma_wait3A_195 = tpu.memref_slice %arg7[%dma_wait3A_193, %dma_wait3A_194] : memref<512x64xf32, #tpu.memory_space<vmem>> -> memref<128x64xf32, #tpu.memory_space<vmem>>
        %dma_wait3A_196 = arith.constant 0 : i32
        %dma_wait3A_197 = tpu.memref_slice %arg5[%add3A_135, %dma_wait3A_196] : memref<200x128xi32, #tpu.memory_space<vmem>> -> memref<1x128xi32, #tpu.memory_space<vmem>>
        %dma_wait3A_198 = tpu.memref_squeeze %dma_wait3A_197 : memref<1x128xi32, #tpu.memory_space<vmem>> -> memref<128xi32, #tpu.memory_space<vmem>>
        %dma_wait3A_199 = arith.constant 0 : i32
        %dma_wait3A_200 = arith.constant 0 : i32
        %dma_wait3A_201 = tpu.memref_slice %arg3[%dma_wait3A_199, %dma_wait3A_200] : memref<1000000x64xf32, #tpu.memory_space<hbm>> -> memref<1000000x64xf32, #tpu.memory_space<hbm>>
        tpu.wait_indirect_dma semaphore(%arg9 : memref<!tpu.dma_semaphore, #tpu.memory_space<semaphore_mem>>) src(%dma_wait3A_201 : memref<1000000x64xf32, #tpu.memory_space<hbm>>) dst(%dma_wait3A_195 : memref<128x64xf32, #tpu.memory_space<vmem>>)
        %add3A_202 = arith.constant 1 : i32
        %add3A_203 = arith.addi %mul3A_90, %add3A_202 : i32
        %mul3A_204 = arith.constant 512 : i32
        %mul3A_205 = arith.muli %add3A_203, %mul3A_204 : i32
        %add3A_206 = arith.addi %mul3A_4, %mul3A_205 : i32
        %dma_start3A_207 = arith.constant 0 : i32
        %dma_start3A_208 = tpu.memref_slice %arg4[%add3A_206, %dma_start3A_207] : memref<819200x64xf32, #tpu.memory_space<hbm>> -> memref<512x64xf32, #tpu.memory_space<hbm>>
        %dma_start3A_209 = arith.constant 0 : i32
        %dma_start3A_210 = tpu.memref_slice %arg4[%add3A_206, %dma_start3A_209] : memref<819200x64xf32, #tpu.memory_space<hbm>> -> memref<512x64xf32, #tpu.memory_space<hbm>>
        tpu.enqueue_dma source(%arg7 : memref<512x64xf32, #tpu.memory_space<vmem>>) target(%dma_start3A_210 : memref<512x64xf32, #tpu.memory_space<hbm>>) target_semaphore(%arg11 : memref<!tpu.dma_semaphore, #tpu.memory_space<semaphore_mem>>)
        %dma_wait3A_211 = arith.constant 0 : i32
        %dma_wait3A_212 = tpu.memref_slice %arg4[%add3A_206, %dma_wait3A_211] : memref<819200x64xf32, #tpu.memory_space<hbm>> -> memref<512x64xf32, #tpu.memory_space<hbm>>
        %dma_wait3A_213 = arith.constant 0 : i32
        %dma_wait3A_214 = tpu.memref_slice %arg4[%add3A_206, %dma_wait3A_213] : memref<819200x64xf32, #tpu.memory_space<hbm>> -> memref<512x64xf32, #tpu.memory_space<hbm>>
        tpu.wait_dma2 semaphore(%arg11 : memref<!tpu.dma_semaphore, #tpu.memory_space<semaphore_mem>>) src(%arg7 : memref<512x64xf32, #tpu.memory_space<vmem>>) dst(%dma_wait3A_214 : memref<512x64xf32, #tpu.memory_space<hbm>>)
      } else {
      }
    }
    %scan3A_87 = arith.constant 25 : i32
    return
  }
}

module attributes {stable_mosaic.version = 14 : i64} {
  func.func @_detile_body(%arg0: i32, %arg1: memref<64x16384xf32, #tpu.memory_space<vmem>>, %arg2: memref<8192x128xf32, #tpu.memory_space<vmem>>, %arg3: memref<16384x64xf32, #tpu.memory_space<vmem>>) attributes {dimension_semantics = [#tpu.dimension_semantics<arbitrary>], iteration_bounds = array<i64: 62>, scalar_prefetch = 0 : i64, scratch_operands = 1 : i64, tpu.core_type = #tpu.core_type<tc>, window_params = [{transform_indices = @transform_0, window_bounds = array<i64: 64, 16384>}, {transform_indices = @transform_1, window_bounds = array<i64: 8192, 128>}]} {
    %get3A = arith.constant 0 : index
    %get3A_0 = arith.constant 0 : index
    %get3A_1 = vector.load %arg1[%get3A, %get3A_0] : memref<64x16384xf32, #tpu.memory_space<vmem>>, vector<64x16384xf32>
    %transpose3A = tpu.transpose %get3A_1, [1, 0] : vector<64x16384xf32> -> vector<16384x64xf32>
    %swap3A = arith.constant 0 : index
    %swap3A_2 = arith.constant 0 : index
    %swap3A_3 = vector.load %arg3[%swap3A, %swap3A_2] : memref<16384x64xf32, #tpu.memory_space<vmem>>, vector<16384x64xf32>
    tpu.vector_store %arg3[%swap3A, %swap3A_2], %transpose3A {strides = array<i32>} : memref<16384x64xf32, #tpu.memory_space<vmem>>, vector<16384x64xf32>,
    %get3A_4 = arith.constant 0 : index
    %get3A_5 = arith.constant 0 : index
    %get3A_6 = tpu.strided_load %arg3[%get3A_4, %get3A_5] {strides = array<i32: 2, 1>} : memref<16384x64xf32, #tpu.memory_space<vmem>>, vector<8192x64xf32>
    %swap3A_7 = arith.constant 0 : index
    %swap3A_8 = arith.constant 0 : index
    %swap3A_9 = vector.load %arg2[%swap3A_7, %swap3A_8] : memref<8192x128xf32, #tpu.memory_space<vmem>>, vector<8192x64xf32>
    tpu.vector_store %arg2[%swap3A_7, %swap3A_8], %get3A_6 {strides = array<i32>} : memref<8192x128xf32, #tpu.memory_space<vmem>>, vector<8192x64xf32>,
    %get3A_10 = arith.constant 1 : index
    %get3A_11 = arith.constant 0 : index
    %get3A_12 = tpu.strided_load %arg3[%get3A_10, %get3A_11] {strides = array<i32: 2, 1>} : memref<16384x64xf32, #tpu.memory_space<vmem>>, vector<8192x64xf32>
    %swap3A_13 = arith.constant 0 : index
    %swap3A_14 = arith.constant 64 : index
    %swap3A_15 = vector.load %arg2[%swap3A_13, %swap3A_14] : memref<8192x128xf32, #tpu.memory_space<vmem>>, vector<8192x64xf32>
    tpu.vector_store %arg2[%swap3A_13, %swap3A_14], %get3A_12 {strides = array<i32>} : memref<8192x128xf32, #tpu.memory_space<vmem>>, vector<8192x64xf32>,
    return
  }
  func.func @transform_0(%arg0: i32) -> (i32, i32) {
    %c0_i32 = arith.constant 0 : i32
    %c0_i32_0 = arith.constant 0 : i32
    return %c0_i32, %arg0 : i32, i32
  }
  func.func @transform_1(%arg0: i32) -> (i32, i32) {
    %c0_i32 = arith.constant 0 : i32
    %c0_i32_0 = arith.constant 0 : i32
    return %arg0, %c0_i32 : i32, i32
  }
}

</mosaic_0001>

<sc_bundles>
// kernel: _embedding_lookup.4.cloned.1.call-start
scs
__scs_entry_jumppad:
0x0: {  	(pc) =	sbr.rel $0x88, $3  }
0x1: {  	(tag) =	ssettag $0x0;
	lr =	simm.s32 $0x1  }
0x2: {  	[smem:$0x3F9F] =	sst lr;
	_ =	strace $0xD0000000  }
0x3: {  	_ = 	snop  }
0x4: {  	_ = 	snop  }
0x5: {  	_ = 	snop  }
0x6: {  	_ = 	snop  }
0x7: {  	_ = 	snop  }
__scs_overlays_trampoline_lowered:
0x8: {  	[smem:$0x3FAE] =	sst s0  }
0x9: {  	[smem:$0x3FAF] =	sst s1  }
0xa: {  	[smem:$0x3FB0] =	sst s2  }
0xb: {  	[smem:$0x3FB1] =	sst s3  }
0xc: {  	[smem:$0x3FB2] =	sst s4  }
0xd: {  	[smem:$0x3FB3] =	sst s5  }
0xe: {  	[smem:$0x3FB4] =	sst s6  }
0xf: {  	[smem:$0x3FB5] =	sst s7  }
0x10: {  	[smem:$0x3FB6] =	sst s8  }
0x11: {  	[smem:$0x3FB7] =	sst s9;
	s0 =	simm.s32 @!p0 $0x0  }
0x12: {  	s1 =	sld [smem:$0x3F9D];
	s0 =	simm.s32 @p0 $0x1  }
0x13: {  	[smem:$0x3FB8] =	sst s0;
	s0 =	simm.s32 @!p1 $0x0  }
0x14: {  	s2 =	sld [smem:$0x3F9C];
	s0 =	simm.s32 @p1 $0x1  }
0x15: {  	[smem:$0x3FB9] =	sst s0;
	s0 =	simm.s32 @!p2 $0x0  }
0x16: {  	s3 =	sld [smem:$0x3FDB];
	s0 =	simm.s32 @p2 $0x1  }
0x17: {  	s4 =	simm.s32 $0x1BF5;
	[smem:$0x3FBB] =	sst s0  }
0x18: {  	s0 =	sld [smem:$0x3F9E];
	_ =	swait.ge [sflag:s4], $0x0  }
0x19: {  	s7 =	sld [smem:$0x3F9F]  }
0x1a: {  	s8 =	sadd.s32 $0xFFFFE003, lr  }
0x1b: {  	s9 =	sadd.s32 $0xFFFFFEF7, lr;
	s5 =	simm.s32 $0xFFFFFFFF;
	p2 =	slt.u32 s8, $0xFFFFF086  }
0x1c: {  	p1 =	slt.u32 s9, $0xF7A;
	s5 =	simm.s32 @!p2 $0x0  }
0x1d: {  	s5 =	simm.s32 @p1 $0x1;
	p0 =	seq.s32 s7, s2  }
0x1e: {  	s7 =	smul.u32 @!p0 $0xF7A, s2;
	p2 =	seq.s32 @!p0 s5, $0x0  }
0x1f: {  	s9 =	smul.u32 $0xF7A, s1;
	s8 =	simm.s32 @!p0 $0x1BF5;
	p2 =	por !p2, p0  }
0x20: {  	[sflag:s8] =	ssyncset.s32 @!p0 $0xFFFFF086;
	s6 =	sadd.s32 @!p0 s3, s7;
	s7 =	simm.s32 @!p0 $0x108  }
0x21: {  	s3 =	sadd.s32 s3, s9;
	s6 =	sadd.s32 @!p0 $0x88, s6;
	s7 =	simm.s32 @p2 $0x1082  }
0x22: {  	[simem:s7], [sflag:s8] =	dma.local @!p0 [hbm:s6], $0xF7A  }
0x23: {  	s9 =	sor.u32 $0xD0000000, s2;
	s6 =	simm.s32 $0x108;
	_ =	swait.ge @!p0 [sflag:s8], $0x0  }
0x24: {  	s3 =	sadd.s32 $0x88, s3;
	s6 =	simm.s32 @!p1 $0x1082;
	[sflag:s4] =	ssyncset.s32 $0xFFFFF086  }
0x25: {  	[simem:s6], [sflag:s4] =	dma.local [hbm:s3], $0xF7A  }
0x26: {  	[smem:$0x3F9F] =	sst s1;
	(tag) =	ssettag s2;
	_ =	strace s9  }
0x27: {  	s1 =	sld [smem:$0x3FAF]  }
0x28: {  	s2 =	sld [smem:$0x3FB0]  }
0x29: {  	s4 =	sld [smem:$0x3FB2]  }
0x2a: {  	p0 =	seq.s32 s5, $0x0;
	s5 =	sld [smem:$0x3FB3]  }
0x2b: {  	s6 =	sld [smem:$0x3FB4]  }
0x2c: {  	s7 =	sld [smem:$0x3FB5]  }
0x2d: {  	s3 =	simm.s32 $0x108;
	s8 =	sld [smem:$0x3FB6]  }
0x2e: {  	s3 =	simm.s32 @!p0 $0x1082;
	s9 =	sld [smem:$0x3FB7]  }
0x2f: {  	lr =	sadd.s32 s0, s3;
	s0 =	sld [smem:$0x3FAE]  }
0x30: {  	s3 =	sld [smem:$0x3FB1]  }
0x31: {  	[smem:$0x3FBA] =	sst s10  }
0x32: {  	s10 =	sld [smem:$0x3FB8];
	_ =	sdelay $0x3  }
0x33: {  	p0 =	seq.s32 s10, $0x1;
	s10 =	sld [smem:$0x3FBA];
	_ =	sdelay $0x3  }
0x34: {  	[smem:$0x3FBA] =	sst s10  }
0x35: {  	s10 =	sld [smem:$0x3FB9];
	_ =	sdelay $0x3  }
0x36: {  	p1 =	seq.s32 s10, $0x1;
	s10 =	sld [smem:$0x3FBA];
	_ =	sdelay $0x3  }
0x37: {  	[smem:$0x3FBA] =	sst s10  }
0x38: {  	s10 =	sld [smem:$0x3FBB]  }
0x39: {  	_ = 	snop;
	(pc) =	sbr.ind lr, $3  }
0x3a: {  	_ = 	snop  }
0x3b: {  	_ = 	snop  }
0x3c: {  	p2 =	seq.s32 s10, $0x1;
	s10 =	sld [smem:$0x3FBA]  }
0x3d: {  	_ =	shalt  }
0x3e: {  	_ =	shalt  }
0x3f: {  	_ =	shalt  }
0x40: {  	_ =	shalt  }
0x41: {  	_ =	shalt  }
0x42: {  	_ =	shalt  }
0x43: {  	_ =	shalt  }
0x44: {  	_ =	shalt  }
0x45: {  	_ =	shalt  }
0x46: {  	_ =	shalt  }
0x47: {  	_ =	shalt  }
0x48: {  	_ =	shalt  }
0x49: {  	_ =	shalt  }
0x4a: {  	_ =	shalt  }
0x4b: {  	_ =	shalt  }
0x4c: {  	_ =	shalt  }
0x4d: {  	_ =	shalt  }
0x4e: {  	_ =	shalt  }
0x4f: {  	_ =	shalt  }
0x50: {  	_ =	shalt  }
0x51: {  	_ =	shalt  }
0x52: {  	_ =	shalt  }
0x53: {  	_ =	shalt  }
0x54: {  	_ =	shalt  }
0x55: {  	_ =	shalt  }
0x56: {  	_ =	shalt  }
0x57: {  	_ =	shalt  }
0x58: {  	_ =	shalt  }
0x59: {  	_ =	shalt  }
0x5a: {  	_ =	shalt  }
0x5b: {  	_ =	shalt  }
0x5c: {  	_ =	shalt  }
0x5d: {  	_ =	shalt  }
0x5e: {  	_ =	shalt  }
0x5f: {  	_ =	shalt  }
0x60: {  	_ =	shalt  }
0x61: {  	_ =	shalt  }
0x62: {  	_ =	shalt  }
0x63: {  	_ =	shalt  }
0x64: {  	_ =	shalt  }
0x65: {  	_ =	shalt  }
0x66: {  	_ =	shalt  }
0x67: {  	_ =	shalt  }
0x68: {  	_ =	shalt  }
0x69: {  	_ =	shalt  }
0x6a: {  	_ =	shalt  }
0x6b: {  	_ =	shalt  }
0x6c: {  	_ =	shalt  }
0x6d: {  	_ =	shalt  }
0x6e: {  	_ =	shalt  }
0x6f: {  	_ =	shalt  }
0x70: {  	_ =	shalt  }
0x71: {  	_ =	shalt  }
0x72: {  	_ =	shalt  }
0x73: {  	_ =	shalt  }
0x74: {  	_ =	shalt  }
0x75: {  	_ =	shalt  }
0x76: {  	_ =	shalt  }
0x77: {  	_ =	shalt  }
0x78: {  	_ =	shalt  }
0x79: {  	_ =	shalt  }
0x7a: {  	_ =	shalt  }
0x7b: {  	_ =	shalt  }
0x7c: {  	_ =	shalt  }
0x7d: {  	_ =	shalt  }
0x7e: {  	_ =	shalt  }
0x7f: {  	_ =	shalt  }
0x80: {  	_ =	shalt  }
0x81: {  	_ =	shalt  }
0x82: {  	_ =	shalt  }
0x83: {  	_ =	shalt  }
0x84: {  	_ =	shalt  }
0x85: {  	_ =	shalt  }
0x86: {  	_ =	shalt  }
0x87: {  	_ =	shalt  }
.Lfunc_end0:
.L_simem_size_0:
called_computation.1_lowered:
.L_overlay_start_0:
0x88: {  	s2 =	sld [smem:$0x3FD9]  }
0x89: {  	s3 =	sld [smem:$0x3FFE];
	_ =	sdelay $0x1  }
0x8a: {  	s1 =	srdreg.scid  }
0x8b: {  	s0 =	sand.u32 $0x1, s1  }
0x8c: {  	s17 =	sshll.u32 s0, $0xA;
	s2 =	sadd.s32 s3, s2  }
0x8d: {  	s2 =	sadd.s32 s2, s17  }
0x8e: {  	[smem:$0x3FC6] =	sst s2  }
0x8f: {  	_ = 	snop  }
0x90: {  	s2 =	sld [smem:$0x3FC9]  }
0x91: {  	s18 =	sld [smem:$0x3FD0];
	(tm) =	ssettm $0x1  }
0x92: {  	s4 =	sld [smem:$0x3FFB];
	_ =	sdelay $0x3  }
0x93: {  	_ =	strace s4  }
0x94: {  	s4 =	sld [smem:$0x3FFC];
	_ =	sdelay $0x3  }
0x95: {  	_ =	strace s4  }
0x96: {  	s4 =	sld [smem:$0x3FFD];
	_ =	sdelay $0x3  }
0x97: {  	_ =	strace s4  }
0x98: {  	_ =	strace $0x8FFFFFFF  }
0x99: {  	s19 =	sld [smem:$0x3FDB];
	_ =	sdelay $0x1  }
0x9a: {  	s5 =	simm.s32 $_scs_section_size  }
0x9b: {  	s6 =	simm.s32 $_size__tile_overlayer_lowered;
	s7 =	simm.s32 $_tile_overlayer_lowered  }
0x9c: {  	s22 =	simm.s32 $0x1BFF;
	s21 =	sshll.u32 s7, $0x1;
	s4 =	sadd.s32 s5, s19  }
0x9d: {  	s8 =	simm.s32 $0x0;
	s20 =	sshll.u32 s6, $0x1;
	s6 =	sadd.s32 s21, s4  }
0x9e: {  	[timem:s8], [sflag:s22] =	dma.local [hbm:s6], s20  }
0x9f: {  	_ =	swait.ge [sflag:s22], s20  }
0xa0: {  	s5 =	ssub.s32 $0x0, s20;
	[sflag:s22] =	ssyncset.done $0x0  }
0xa1: {  	[sflag:s22] =	ssyncadd.s32 s5;
	_ =	sdelay $0x1  }
0xa2: {  	s23 =	simm.s32 $0x1B8B  }
0xa3: {  	_ =	swait.ge [sflag:s23], $0x1  }
0xa4: {  	[sflag:s23] =	ssyncset.done $0x0  }
0xa5: {  	s25 =	simm.s32 $0x1B8E;
	s24 =	sld [smem:$0x3FFE];
	[sflag:s23] =	ssyncadd.s32 $0xFFFFFFFF  }
0xa6: {  	s26 =	simm.s32 $execute0_lowered;
	[smem:$0x3FD2] =	sst s25  }
0xa7: {  	s6 =	sshll.u32 s26, $0x1;
	_ =	strace $0x80000046;
	[dreg:$0x1] =	wrdreg $0xFFFFFFFF  }
0xa8: {  	s28 =	simm.s32 $_size_execute0_lowered;
	s4 =	sadd.s32 s4, s6;
	[dreg:$0x0] =	wrdreg $0x0  }
0xa9: {  	s6 =	sshll.u32 s28, $0x1;
	[dreg:$0x2] =	wrdreg s4  }
0xaa: {  	[dreg:$0x3] =	wrdreg s6  }
0xab: {  	[dreg:$0x4] =	wrdreg $0xC0  }
0xac: {  	_ =	task [dreg:s8], $0x5FFFF  }
0xad: {  	[dreg:$0x1] =	wrdreg $0xFFFFFFFF  }
0xae: {  	[dreg:$0x0] =	wrdreg $0x60  }
0xaf: {  	[dreg:$0x2] =	wrdreg s2  }
0xb0: {  	[dreg:$0x3] =	wrdreg s24  }
0xb1: {  	[dreg:$0x4] =	wrdreg s18  }
0xb2: {  	[dreg:$0x5] =	wrdreg $0x9  }
0xb3: {  	_ =	task.clear_ibuf [dreg:s8], $0x6FFFF;
	_ =	strace $0x90000046  }
0xb4: {  	s29 =	simm.s32 $0x9;
	_ =	strace $0x80000048  }
0xb5: {  	_ =	swait.ge [sflag:s29], $0x1  }
0xb6: {  	[sflag:s29] =	ssyncadd.s32 $0xFFFFFFFF  }
0xb7: {  	_ =	strace $0x90000048  }
0xb8: {  	_ =	sfence  }
0xb9: {  	s30 =	sld [smem:$0x0];
	_ =	sdelay $0x2  }
0xba: {  	s31 =	sshll.u32 s1, $0xD;
	s1 =	sshrl.u32 s1, $0x2  }
0xbb: {  	s3 =	sand.u32 $0x4000, s31;
	s1 =	sadd.s32 s1, s30  }
0xbc: {  	s0 =	sor.u32 s3, s0;
	s1 =	sshll.u32 s1, $0x11  }
0xbd: {  	s0 =	sor.u32 s1, s0  }
0xbe: {  	s0 =	sadd.s32 $0x8F2B, s0  }
0xbf: {  	[sflag:s0] =	ssyncadd.remote.s32 $0x1  }
0xc0: {  	_ =	sfence.sel $0xFFFF  }
0xc1: {  	[dreg:$0x0] =	wrdreg $0xFFFFFFFF;
	(pc) =	sbr.abs _section_cstart, $3  }
0xc2: {  	[dreg:$0x1] =	wrdreg $0xFFFFFFFF  }
0xc3: {  	_ =	task.clear_ibuf [dreg:s8], $0x2FFFF;
	_ =	strace $0x9FFFFFFF  }
0xc4: {  	(tm) =	ssettm $0x7FFFFFFF  }
0xc5: {  	_ =	shalt  }
tec
execute0_lowered:
.L_overlay_start_1:
0x0: {  	(tag) =	ssettag $0x1  }
0x1: {  	s1 =	srdreg.scid;
	s4 =	rddreg [dreg:$0x0]  }
0x2: {  	s0 =	stileid.u32;
	s5 =	rddreg [dreg:$0x1]  }
0x3: {  	s8 =	rddreg [dreg:$0x2];
	s2 =	simm.s32 $0x0;
	s13 =	simm.s32 $0x100  }
0x4: {  	s14 =	simm.s32 $0xA400;
	s15 =	simm.s32 $0x180;
	s16 =	simm.s32 $0xC400  }
0x5: {  	s17 =	simm.s32 $0x1;
	s18 =	simm.s32 $0xE400;
	s19 =	simm.s32 $0x10400  }
0x6: {  	s20 =	simm.s32 $0x12400;
	s21 =	simm.s32 $0x14400;
	s22 =	simm.s32 $0x3  }
0x7: {  	s23 =	simm.s32 $0x2;
	s24 =	simm.s32 $0x4;
	s25 =	simm.s32 $0x0  }
0x8: {  	s3 =	sand.u32 $0x1, s1;
	s26 =	sshll.u32 s0, $0x1;
	s1 =	rddreg [dreg:$0x3]  }
0x9: {  	[smem:$0x7FF] =	sst s2;
	s10 =	smul.u32 $0x320000, s0;
	s6 =	sor.u32 s3, s26  }
0xa: {  	s9 =	ssub.s32 $0x2, s3;
	_ =	strace $0x80000047;
	s12 =	smul.u32 $0x190000, s3  }
0xb: {  	s3 =	sadd.s32 $0x800, s5;
	s7 =	smul.u32 $0xC80, s6;
	s11 =	sshrl.u32 s9, $0x1  }
0xc: {  	s6 =	smul.u32 $0x190000, s6;
	s9 =	ssub.s32 s9, s11;
	s29 =	sadd.s32 s12, s10  }
.Ltmp0:
0xd: {  	s11 =	simm.s32 $0x6400;
	s12 =	simm.s32 $0x8400;
	(pc) =	sbr.rel .LBB2_1-.Ltmp0, $4  }
0xe: {  	s28 =	sshrl.u32 s6, $0x3;
	s4 =	sadd.s32 s4, s7;
	s30 =	sshrl.u32 s29, $0x3  }
0xf: {  	s10 =	sor.u32 $0x8000, s29;
	s6 =	smax.u32 s9, $0x1;
	s9 =	simm.s32 $0x5  }
0x10: {  	s5 =	sadd.s32 s8, s28;
	s7 =	sadd.s32 s30, s8;
	s31 =	sshrl.u32 s10, $0x3  }
0x11: {  	s10 =	simm.s32 $0x80;
	s5 =	sadd.s32 $0x31000, s5;
	s8 =	sadd.s32 s31, s8  }
.LBB2_4:
0x12: {  	_ =	swait.ge [sflag:s23], $0x2000  }
0x13: {  	[sflag:s23] =	ssyncset.done $0x0  }
0x14: {  	[sflag:s23] =	ssyncadd.s32 $0xFFFFE000  }
0x15: {  	_ =	swait.ge [sflag:s23], $0x2000  }
0x16: {  	[sflag:s23] =	ssyncset.done $0x0  }
0x17: {  	[sflag:s23] =	ssyncadd.s32 $0xFFFFE000  }
0x18: {  	_ =	swait.ge [sflag:s23], $0x2000  }
0x19: {  	[sflag:s23] =	ssyncset.done $0x0  }
0x1a: {  	[sflag:s23] =	ssyncadd.s32 $0xFFFFE000  }
0x1b: {  	s25 =	sadd.s32 $0x1, s25;
	_ =	swait.ge [sflag:s23], $0x2000  }
0x1c: {  	p0 =	sne.s32 s25, s6;
	[sflag:s23] =	ssyncset.done $0x0  }
.Ltmp1:
0x1d: {  	[sflag:s23] =	ssyncadd.s32 $0xFFFFE000;
	(pc) =	sbr.rel @!p0 .LBB2_5-.Ltmp1, $4  }
0x1e: {  	[hbm4b:s5+s2] =	stream.linear.scatter [tilespmem:s18], [sflag:$0x4], $0x8000, $0x38;
	[tilespmem:$0x16400] =	vst v63  }
0x1f: {  	_ =	swait.ge [sflag:s24], $0x8000  }
0x20: {  	[sflag:s24] =	ssyncset.done $0x0  }
0x21: {  	[sflag:s24] =	ssyncadd.s32 $0xFFFF8000  }
.LBB2_1:
0x22: {  	[tilespmem:s2], [sflag:$0x5] =	stream.linear.gather [hbm4b:s4+s2], $0x6400, $0x38;
	[tilespmem:$0x16400] =	vst v63  }
0x23: {  	_ =	swait.ge [sflag:s9], $0x6400  }
0x24: {  	[sflag:s9] =	ssyncset.done $0x0  }
0x25: {  	[sflag:s9] =	ssyncadd.s32 $0xFFFF9C00  }
0x26: {  	[tilespmem:s11], [sflag:$0x1] =	stream.indirect.gather [hbm4b:s3+s10], $0x40, s2, s10, $0xb8;
	[tilespmem:$0x16400] =	vst v63  }
0x27: {  	_ = 	snop  }
0x28: {  	[tilespmem:s12], [sflag:$0x1] =	stream.indirect.gather [hbm4b:s3+s10], $0x40, s10, s10, $0xb8;
	[tilespmem:$0x16400] =	vst v63  }
0x29: {  	_ = 	snop  }
0x2a: {  	[tilespmem:s14], [sflag:$0x1] =	stream.indirect.gather [hbm4b:s3+s10], $0x40, s13, s10, $0xb8;
	[tilespmem:$0x16400] =	vst v63  }
0x2b: {  	_ = 	snop  }
0x2c: {  	[tilespmem:s16], [sflag:$0x1] =	stream.indirect.gather [hbm4b:s3+s10], $0x40, s15, s10, $0xb8;
	[tilespmem:$0x16400] =	vst v63  }
0x2d: {  	_ =	swait.ge [sflag:s17], $0x2000  }
0x2e: {  	[sflag:s17] =	ssyncset.done $0x0  }
0x2f: {  	[sflag:s17] =	ssyncadd.s32 $0xFFFFE000  }
0x30: {  	_ =	swait.ge [sflag:s17], $0x2000  }
0x31: {  	[sflag:s17] =	ssyncset.done $0x0  }
0x32: {  	[sflag:s17] =	ssyncadd.s32 $0xFFFFE000  }
0x33: {  	_ =	swait.ge [sflag:s17], $0x2000  }
0x34: {  	[sflag:s17] =	ssyncset.done $0x0  }
0x35: {  	[sflag:s17] =	ssyncadd.s32 $0xFFFFE000  }
0x36: {  	_ =	swait.ge [sflag:s17], $0x2000  }
0x37: {  	s26 =	smov.u32 s8;
	[sflag:s17] =	ssyncset.done $0x0  }
0x38: {  	s28 =	smov.u32 s7;
	s29 =	simm.s32 $0x0;
	[sflag:s17] =	ssyncadd.s32 $0xFFFFE000  }
.LBB2_2:
0x39: {  	s30 =	sshra.s32 s29, $0x2  }
0x3a: {  	s31 =	sadd.s32 $0x200, s30  }
0x3b: {  	[tilespmem:s18], [sflag:$0x2] =	stream.indirect.gather [hbm4b:s3+s10], $0x40, s31, s10, $0xb8;
	[tilespmem:$0x16400] =	vst v63  }
0x3c: {  	s31 =	sadd.s32 $0x280, s30  }
0x3d: {  	[tilespmem:s19], [sflag:$0x2] =	stream.indirect.gather [hbm4b:s3+s10], $0x40, s31, s10, $0xb8;
	[tilespmem:$0x16400] =	vst v63  }
0x3e: {  	s31 =	sadd.s32 $0x300, s30  }
0x3f: {  	[tilespmem:s20], [sflag:$0x2] =	stream.indirect.gather [hbm4b:s3+s10], $0x40, s31, s10, $0xb8;
	[tilespmem:$0x16400] =	vst v63  }
0x40: {  	p0 =	seq.s32 s29, $0x18000;
	s31 =	sadd.s32 $0x380, s30  }
0x41: {  	[tilespmem:s21], [sflag:$0x2] =	stream.indirect.gather [hbm4b:s3+s10], $0x40, s31, s10, $0xb8;
	[tilespmem:$0x16400] =	vst v63  }
.Ltmp2:
0x42: {  	_ = 	snop;
	(pc) =	sbr.rel @p0 .LBB2_4-.Ltmp2, $4  }
0x43: {  	[hbm4b:s28+s2] =	stream.linear.scatter [tilespmem:s11], [sflag:$0x3], $0x8000, $0x38;
	[tilespmem:$0x16400] =	vst v63  }
0x44: {  	_ =	swait.ge [sflag:s22], $0x8000  }
0x45: {  	[sflag:s22] =	ssyncset.done $0x0  }
0x46: {  	[sflag:s22] =	ssyncadd.s32 $0xFFFF8000  }
0x47: {  	s31 =	sadd.s32 $0x400, s30  }
0x48: {  	[tilespmem:s11], [sflag:$0x1] =	stream.indirect.gather [hbm4b:s3+s10], $0x40, s31, s10, $0xb8;
	[tilespmem:$0x16400] =	vst v63  }
0x49: {  	s31 =	sadd.s32 $0x480, s30  }
0x4a: {  	[tilespmem:s12], [sflag:$0x1] =	stream.indirect.gather [hbm4b:s3+s10], $0x40, s31, s10, $0xb8;
	[tilespmem:$0x16400] =	vst v63  }
0x4b: {  	s31 =	sadd.s32 $0x500, s30  }
0x4c: {  	[tilespmem:s14], [sflag:$0x1] =	stream.indirect.gather [hbm4b:s3+s10], $0x40, s31, s10, $0xb8;
	[tilespmem:$0x16400] =	vst v63  }
0x4d: {  	s31 =	sadd.s32 $0x580, s30  }
0x4e: {  	[tilespmem:s16], [sflag:$0x1] =	stream.indirect.gather [hbm4b:s3+s10], $0x40, s31, s10, $0xb8;
	[tilespmem:$0x16400] =	vst v63  }
0x4f: {  	_ =	swait.ge [sflag:s23], $0x2000  }
0x50: {  	[sflag:s23] =	ssyncset.done $0x0  }
0x51: {  	[sflag:s23] =	ssyncadd.s32 $0xFFFFE000  }
0x52: {  	_ =	swait.ge [sflag:s23], $0x2000  }
0x53: {  	[sflag:s23] =	ssyncset.done $0x0  }
0x54: {  	[sflag:s23] =	ssyncadd.s32 $0xFFFFE000  }
0x55: {  	_ =	swait.ge [sflag:s23], $0x2000  }
0x56: {  	[sflag:s23] =	ssyncset.done $0x0  }
0x57: {  	[sflag:s23] =	ssyncadd.s32 $0xFFFFE000  }
0x58: {  	_ =	swait.ge [sflag:s23], $0x2000  }
0x59: {  	[sflag:s23] =	ssyncset.done $0x0  }
0x5a: {  	[sflag:s23] =	ssyncadd.s32 $0xFFFFE000  }
0x5b: {  	[hbm4b:s26+s2] =	stream.linear.scatter [tilespmem:s18], [sflag:$0x4], $0x8000, $0x38;
	[tilespmem:$0x16400] =	vst v63  }
0x5c: {  	_ =	swait.ge [sflag:s24], $0x8000  }
0x5d: {  	[sflag:s24] =	ssyncset.done $0x0  }
0x5e: {  	[sflag:s24] =	ssyncadd.s32 $0xFFFF8000  }
0x5f: {  	_ =	swait.ge [sflag:s17], $0x2000  }
0x60: {  	[sflag:s17] =	ssyncset.done $0x0  }
0x61: {  	[sflag:s17] =	ssyncadd.s32 $0xFFFFE000  }
0x62: {  	_ =	swait.ge [sflag:s17], $0x2000  }
0x63: {  	[sflag:s17] =	ssyncset.done $0x0  }
0x64: {  	[sflag:s17] =	ssyncadd.s32 $0xFFFFE000  }
0x65: {  	_ =	swait.ge [sflag:s17], $0x2000  }
.Ltmp3:
0x66: {  	[sflag:s17] =	ssyncset.done $0x0;
	(pc) =	sbr.rel .LBB2_2-.Ltmp3, $4  }
0x67: {  	[sflag:s17] =	ssyncadd.s32 $0xFFFFE000  }
0x68: {  	_ =	swait.ge [sflag:s17], $0x2000  }
0x69: {  	s29 =	sadd.s32 $0x1000, s29;
	[sflag:s17] =	ssyncset.done $0x0  }
0x6a: {  	s28 =	sadd.s32 $0x2000, s28;
	s26 =	sadd.s32 $0x2000, s26;
	[sflag:s17] =	ssyncadd.s32 $0xFFFFE000  }
.LBB2_5:
0x6b: {  	_ =	sfence.sel $0x180000  }
0x6c: {  	[bflag:$0x0] =	sbarrier.arrive $0xFFFF  }
0x6d: {  	p0 =	sne.s32 s0, $0x0;
	_ =	strace $0x90000047  }
0x6e: {  	s0 =	sadd.s32 @!p0 $0x100000, s1;
	[bflag:$0x2] =	sbarrier.arrive $0xFFFF  }
0x6f: {  	[sflag:s0] =	ssyncadd.tile.s32 @!p0 $0x1;
	_ =	shalt  }
.Lfunc_end2:
_tile_overlayer_lowered:
.L_overlay_start_2:
0x70: {  	(tag) =	ssettag $0x2  }
0x71: {  	s0 =	rddreg [dreg:$0x0];
	s2 =	stileid.u32  }
0x72: {  	s1 =	rddreg [dreg:$0x1];
	p0 =	sne.s32 s2, $0x0  }
0x73: {  	s3 =	rddreg [dreg:$0x2];
	[bflag:$0x3] =	sbarrier.arrive $0xFFFF;
	s2 =	simm.s32 @!p0 $0x1C05  }
0x74: {  	[timem:s3], [sflag:s2] =	dma.local @!p0 [hbm:s0], s1  }
0x75: {  	s0 =	simm.s32 @!p0 $0x5  }
0x76: {  	_ =	swait.ge @!p0 [sflag:s0], s1  }
0x77: {  	s1 =	ssub.s32 @!p0 $0x0, s1;
	[sflag:s0] =	ssyncset.done @!p0 $0x0  }
0x78: {  	[sflag:s0] =	ssyncadd.s32 @!p0 s1  }
0x79: {  	[bflag:$0x3] =	sbarrier.arrive $0xFFFF  }
0x7a: {  	_ =	shalt  }

// kernel: sparse-core-data-format-call.cloned.1.call-start
scs
called_computation_lowered:
.L_overlay_start_0:
0x0: {  	s2 =	sld [smem:$0x3FD9]  }
0x1: {  	s3 =	sld [smem:$0x3FFE];
	_ =	sdelay $0x1  }
0x2: {  	s1 =	srdreg.scid  }
0x3: {  	s0 =	sand.u32 $0x1, s1  }
0x4: {  	s18 =	sshll.u32 s0, $0xA;
	s2 =	sadd.s32 s3, s2  }
0x5: {  	s2 =	sadd.s32 s2, s18  }
0x6: {  	[smem:$0x3FC6] =	sst s2  }
0x7: {  	_ = 	snop  }
0x8: {  	s2 =	sld [smem:$0x3FD0];
	(tm) =	ssettm $0x1  }
0x9: {  	s19 =	sld [smem:$0x3FFB];
	_ =	sdelay $0x3  }
0xa: {  	_ =	strace s19  }
0xb: {  	s3 =	sld [smem:$0x3FFC];
	_ =	sdelay $0x3  }
0xc: {  	_ =	strace s3  }
0xd: {  	s3 =	sld [smem:$0x3FFD];
	_ =	sdelay $0x3  }
0xe: {  	_ =	strace s3  }
0xf: {  	_ =	strace $0x8FFFFFFF  }
0x10: {  	s20 =	sld [smem:$0x3FDB];
	_ =	sdelay $0x1  }
0x11: {  	s4 =	simm.s32 $_scs_section_size  }
0x12: {  	s5 =	simm.s32 $_size__tile_overlayer_lowered;
	s6 =	simm.s32 $_tile_overlayer_lowered  }
0x13: {  	s23 =	simm.s32 $0x1BFF;
	s22 =	sshll.u32 s6, $0x1;
	s3 =	sadd.s32 s4, s20  }
0x14: {  	s7 =	simm.s32 $0x0;
	s21 =	sshll.u32 s5, $0x1;
	s5 =	sadd.s32 s22, s3  }
0x15: {  	[timem:s7], [sflag:s23] =	dma.local [hbm:s5], s21  }
0x16: {  	_ =	swait.ge [sflag:s23], s21  }
0x17: {  	s4 =	ssub.s32 $0x0, s21;
	[sflag:s23] =	ssyncset.done $0x0  }
0x18: {  	[sflag:s23] =	ssyncadd.s32 s4;
	_ =	sdelay $0x1  }
0x19: {  	s24 =	simm.s32 $0x1B8B  }
0x1a: {  	_ =	swait.ge [sflag:s24], $0x1  }
0x1b: {  	[sflag:s24] =	ssyncset.done $0x0  }
0x1c: {  	s26 =	simm.s32 $0x1B8E;
	s25 =	sld [smem:$0x3FFE];
	[sflag:s24] =	ssyncadd.s32 $0xFFFFFFFF  }
0x1d: {  	s27 =	simm.s32 $execute0_lowered;
	[smem:$0x3FD2] =	sst s26  }
0x1e: {  	s5 =	sshll.u32 s27, $0x1;
	_ =	strace $0x80000049;
	[dreg:$0x1] =	wrdreg $0xFFFFFFFF  }
0x1f: {  	s28 =	simm.s32 $_size_execute0_lowered;
	s3 =	sadd.s32 s3, s5;
	[dreg:$0x0] =	wrdreg $0x0  }
0x20: {  	s5 =	sshll.u32 s28, $0x1;
	[dreg:$0x2] =	wrdreg s3  }
0x21: {  	[dreg:$0x3] =	wrdreg s5  }
0x22: {  	[dreg:$0x4] =	wrdreg $0xC0  }
0x23: {  	_ =	task [dreg:s7], $0x5FFFF  }
0x24: {  	[dreg:$0x1] =	wrdreg $0xFFFFFFFF  }
0x25: {  	[dreg:$0x0] =	wrdreg $0x60  }
0x26: {  	[dreg:$0x2] =	wrdreg s25  }
0x27: {  	[dreg:$0x3] =	wrdreg s2  }
0x28: {  	[dreg:$0x4] =	wrdreg $0x9  }
0x29: {  	_ =	task.clear_ibuf [dreg:s7], $0x5FFFF;
	_ =	strace $0x90000049  }
0x2a: {  	s29 =	simm.s32 $0x9;
	_ =	strace $0x8000004B  }
0x2b: {  	_ =	swait.ge [sflag:s29], $0x1  }
0x2c: {  	[sflag:s29] =	ssyncadd.s32 $0xFFFFFFFF  }
0x2d: {  	_ =	strace $0x9000004B  }
0x2e: {  	_ =	sfence  }
0x2f: {  	s30 =	sld [smem:$0x0];
	_ =	sdelay $0x2  }
0x30: {  	s31 =	sshll.u32 s1, $0xD;
	s1 =	sshrl.u32 s1, $0x2  }
0x31: {  	s3 =	sand.u32 $0x4000, s31;
	s1 =	sadd.s32 s1, s30  }
0x32: {  	s0 =	sor.u32 s3, s0;
	s1 =	sshll.u32 s1, $0x11  }
0x33: {  	s0 =	sor.u32 s1, s0  }
0x34: {  	s0 =	sadd.s32 $0x8F2B, s0  }
0x35: {  	[sflag:s0] =	ssyncadd.remote.s32 $0x1  }
0x36: {  	_ =	sfence.sel $0xFFFF  }
0x37: {  	[dreg:$0x0] =	wrdreg $0xFFFFFFFF;
	(pc) =	sbr.abs _section_cstart, $3  }
0x38: {  	[dreg:$0x1] =	wrdreg $0xFFFFFFFF  }
0x39: {  	_ =	task.clear_ibuf [dreg:s7], $0x2FFFF;
	_ =	strace $0x9FFFFFFF  }
0x3a: {  	(tm) =	ssettm $0x7FFFFFFF  }
0x3b: {  	_ =	shalt  }
tec
execute0_lowered:
.L_overlay_start_1:
0x0: {  	(tag) =	ssettag $0x1  }
0x1: {  	s0 =	srdreg.scid  }
0x2: {  	s1 =	sshll.u32 s0, $0x4  }
0x3: {  	s4 =	rddreg [dreg:$0x0];
	s0 =	stileid.u32;
	s1 =	sand.u32 $0x10, s1  }
0x4: {  	s2 =	rddreg [dreg:$0x1];
	s7 =	simm.s32 $0x1;
	s1 =	sor.u32 s0, s1  }
0x5: {  	s8 =	simm.s32 $0x2;
	s11 =	simm.s32 $0x0;
	s3 =	sshll.u32 s1, $0x7  }
0x6: {  	s10 =	simm.s32 $0x0;
	s4 =	sadd.s32 $0x800, s4;
	s6 =	ssub.s32 $0xC8000, s3  }
.Ltmp0:
0x7: {  	s1 =	rddreg [dreg:$0x2];
	s5 =	sand.u32 $0xF80, s6;
	(pc) =	sbr.rel .LBB1_1-.Ltmp0, $4  }
0x8: {  	_ =	strace $0x8000004A;
	s9 =	smov.u32 s3;
	p0 =	sne.s32 s5, $0x0  }
0x9: {  	s6 =	sshrl.u32 s6, $0xC;
	s5 =	simm.s32 $0x1;
	s7 =	simm.s32 @!p0 $0x0  }
0xa: {  	[sflag:s5] =	ssyncpa.u1 $0x0;
	p0 =	por $0x0, $0x0;
	s6 =	sadd.s32 s7, s6  }
0xb: {  	[sflag:s8] =	ssyncpa.u1 $0x0;
	s8 =	simm.s32 $0x640000;
	s7 =	sadd.s32 $0x1, s6  }
.LBB1_4:
0xc: {  	s14 =	sshll.u32 s11, $0x3  }
0xd: {  	s30 =	sand.u32 $0x7F, s11;
	s15 =	sand.u32 $0xFFFFFC00, s14  }
0xe: {  	s11 =	sor.u32 s30, s15  }
0xf: {  	s15 =	smulhi.u32 $0x51EB851F, s11  }
0x10: {  	s14 =	smulhi.u32 $0x51EB851F, s14  }
0x11: {  	s15 =	sshrl.u32 s15, $0x12  }
0x12: {  	s14 =	sshrl.u32 s14, $0x12;
	s15 =	smul.u32 $0xC8000, s15  }
0x13: {  	s14 =	sand.u32 $0x3F, s14  }
0x14: {  	s14 =	smul.u32 $0x19000, s14;
	s11 =	ssub.s32 s11, s15  }
0x15: {  	[tilespmem:s13+$0x810 ss:$0x81] =	vst.msk $0xffff, v2;
	s15 =	sand.u32 $0x7, s11  }
0x16: {  	[tilespmem:s13+$0x1020 ss:$0x81] =	vst.msk $0xffff, v0;
	s14 =	sadd.s32 s2, s14;
	s11 =	sshrl.u32 s11, $0x3;
	s15 =	sshll.u32 s15, $0x12  }
0x17: {  	[tilespmem:s13+$0x0 ss:$0x81] =	vst.msk $0xffff, v1;
	s11 =	sadd.s32 s11, s14;
	s31 =	sor.u32 $0x400, s15  }
0x18: {  	[hbm4b:s11+s31] =	stream.strided.scatter [tilespmem:s12], [sflag:$0x2], $0x2000, s8, s31, $0x20;
	[tilespmem:$0x8080] =	vst v63  }
.LBB1_5:
0x19: {  	s13 =	sadd.s32 $0x1000, s9  }
0x1a: {  	p2 =	sgt.s32 s13, $0xC7FFF  }
0x1b: {  	s13 =	smov.u32 @p2 s3;
	p2 =	sne.s32 s10, s7  }
.Ltmp1:
0x1c: {  	p1 =	slt.u32 s10, $0x2;
	(pc) =	sbr.rel @!p2 .LBB1_6-.Ltmp1, $4  }
0x1d: {  	s12 =	simm.s32 @!p1 $0x2  }
0x1e: {  	s14 =	sadd.s32 $0x1, s10;
	_ =	swait.ge @!p1 [sflag:s12], $0x2000  }
0x1f: {  	s11 =	smov.u32 s9;
	p0 =	por !p0, !p0;
	[sflag:s12] =	ssyncset.done @!p1 $0x0  }
0x20: {  	s10 =	smov.u32 s14;
	s9 =	smov.u32 s13;
	[sflag:s12] =	ssyncadd.s32 @!p1 $0xFFFFE000  }
.LBB1_1:
0x21: {  	p1 =	sge.u32 s10, s6  }
0x22: {  	s12 =	sand.u32 @!p1 $0x1FFFFFF, s9  }
0x23: {  	s13 =	smulhi.u32 @!p1 $0x147AE15, s12;
	_ =	sdelay $0x1  }
0x24: {  	s13 =	sshrl.u32 @!p1 s13, $0xC  }
0x25: {  	s13 =	smul.u32 @!p1 $0xC8000, s13;
	_ =	sdelay $0x1  }
0x26: {  	s31 =	sadd.s32 $0xFFFFFFFF, s10;
	s14 =	sxor.u32 @!p1 $0xFFFFFFFF, s10;
	s12 =	ssub.s32 @!p1 s12, s13  }
0x27: {  	s15 =	simm.s32 @!p1 $0x80;
	s14 =	sshll.u32 @!p1 s14, $0xD;
	s12 =	sshll.u32 @!p1 s12, $0x4  }
0x28: {  	s13 =	sand.u32 @!p1 $0x2000, s14;
	s14 =	simm.s32 @!p1 $0x40;
	s12 =	sadd.s32 @!p1 s4, s12  }
0x29: {  	[tilespmem:s13], [sflag:$0x1] =	stream.strided.gather @!p1 [hbm4b:s12+s14], $0x2000, s15, s14, $0x38;
	[tilespmem:$0x8080] =	vst v63  }
0x2a: {  	p1 =	sge.u32 s31, s6  }
.Ltmp2:
0x2b: {  	_ = 	snop;
	(pc) =	sbr.rel @p1 .LBB1_5-.Ltmp2, $1  }
0x2c: {  	_ =	sdelay $0x3  }
0x2d: {  	s12 =	simm.s32 $0x1  }
0x2e: {  	_ =	swait.ge [sflag:s5], $0x2000;
	s12 =	simm.s32 @!p0 $0x0  }
0x2f: {  	[sflag:s5] =	ssyncset.done $0x0;
	s13 =	sshll.u32 s12, $0xD  }
0x30: {  	[sflag:s5] =	ssyncadd.s32 $0xFFFFE000;
	s16 =	sor.u32 $0x20, s13  }
0x31: {  	s12 =	smul.u32 $0x8100, s12;
	v3 =	vld [tilespmem:s16+$0x10]  }
0x32: {  	s30 =	sand.u32 $0x1, s10;
	v2 =	vld [tilespmem:s16+$0xFFFFFFF0]  }
0x33: {  	s13 =	smul.u32 $0x8100, s30;
	s12 =	sshrl.u32 s12, $0x2;
	v0 =	vld [tilespmem:s16+$0x0]  }
0x34: {  	v1 =	vld [tilespmem:s16+$0xFFFFFFE0];
	s14 =	sor.u32 $0x4000, s12  }
0x35: {  	s31 =	sshrl.u32 s13, $0x2;
	s13 =	sadd.s32 $0x0, s14  }
0x36: {  	s15 =	simm.s32 $0x4;
	s16 =	sadd.s32 $0x40, s16;
	s12 =	sor.u32 $0x4000, s31;
	[tilespmem:s13+$0x1830 ss:$0x81] =	vst.msk $0xffff, v3  }
.LBB1_3:
0x37: {  	v3 =	vld [tilespmem:s16+$0x10];
	p1 =	sne.s32 s15, $0x1FC;
	[tilespmem:s13+$0x810 ss:$0x81] =	vst.msk $0xffff, v2;
	s17 =	smov.u32 s15;
	s15 =	sadd.s32 $0x4, s15  }
.Ltmp3:
0x38: {  	v2 =	vld [tilespmem:s16+$0xFFFFFFF0];
	[tilespmem:s13+$0x1020 ss:$0x81] =	vst.msk $0xffff, v0;
	(pc) =	sbr.rel @p1 .LBB1_3-.Ltmp3, $4  }
0x39: {  	v0 =	vld [tilespmem:s16+$0x0];
	[tilespmem:s13+$0x0 ss:$0x81] =	vst.msk $0xffff, v1  }
0x3a: {  	s13 =	sshra.s32 s17, $0x2;
	v1 =	vld [tilespmem:s16+$0xFFFFFFE0]  }
0x3b: {  	s13 =	sadd.s32 s13, s14  }
0x3c: {  	s16 =	sadd.s32 $0x40, s16;
	[tilespmem:s13+$0x1830 ss:$0x81] =	vst.msk $0xffff, v3  }
.Ltmp4:
0x3d: {  	_ = 	snop;
	(pc) =	sbr.rel .LBB1_4-.Ltmp4, $1  }
0x3e: {  	_ =	sdelay $0x3  }
.LBB1_6:
0x3f: {  	_ =	sfence.sel $0x180000  }
0x40: {  	s2 =	simm.s32 $0x1;
	[bflag:$0x0] =	sbarrier.arrive $0xFFFF  }
0x41: {  	s31 =	simm.s32 $0x2;
	[sflag:s2] =	ssyncpa.u1 $0x1  }
0x42: {  	[sflag:s31] =	ssyncpa.u1 $0x1  }
0x43: {  	p0 =	sne.s32 s0, $0x0;
	_ =	strace $0x9000004A  }
0x44: {  	s0 =	sadd.s32 @!p0 $0x100000, s1;
	[bflag:$0x2] =	sbarrier.arrive $0xFFFF  }
0x45: {  	[sflag:s0] =	ssyncadd.tile.s32 @!p0 $0x1;
	_ =	shalt  }
.Lfunc_end1:
_tile_overlayer_lowered:
.L_overlay_start_2:
0x46: {  	(tag) =	ssettag $0x2  }
0x47: {  	s0 =	rddreg [dreg:$0x0];
	s2 =	stileid.u32  }
0x48: {  	s1 =	rddreg [dreg:$0x1];
	p0 =	sne.s32 s2, $0x0  }
0x49: {  	s3 =	rddreg [dreg:$0x2];
	[bflag:$0x3] =	sbarrier.arrive $0xFFFF;
	s2 =	simm.s32 @!p0 $0x1C01  }
0x4a: {  	[timem:s3], [sflag:s2] =	dma.local @!p0 [hbm:s0], s1  }
0x4b: {  	s0 =	simm.s32 @!p0 $0x1  }
0x4c: {  	_ =	swait.ge @!p0 [sflag:s0], s1  }
0x4d: {  	s1 =	ssub.s32 @!p0 $0x0, s1;
	[sflag:s0] =	ssyncset.done @!p0 $0x0  }
0x4e: {  	[sflag:s0] =	ssyncadd.s32 @!p0 s1  }
0x4f: {  	[bflag:$0x3] =	sbarrier.arrive $0xFFFF  }
0x50: {  	_ =	shalt  }

</sc_bundles>
